<compile_context>
chip_gen: v7x
topology: tpu7x:2x2x1
jax: 0.10.2.dev20260603
libtpu: 0.0.44.dev20260713+nightly
codegen_flags: <defaults>
</compile_context>

<pallas_src>
import functools

import jax
import jax.numpy as jnp
from jax import lax
from jax.experimental import pallas as pl
from jax.experimental.pallas import tpu as pltpu
from jax.experimental.pallas import tpu_sc as plsc

TEMP = 0.07
N = 16384
D = 128
DE = 136
P = 1024
BLK = 4096
NBLK = N // BLK
BLK2 = 4096
NBLK2 = N // BLK2

NC, NS, L = 2, 16, 16
RPT = N // (NC * NS)
CH = 128
NCH = RPT // CH
PPT = P // NS


def _norm_body(feat_ref, fn_ref):
    f = feat_ref[...]
    ss = jnp.sum(f * f, axis=1, keepdims=True)
    fn_ref[...] = f * lax.rsqrt(jnp.maximum(ss, 1e-24))


_sc_mesh = plsc.VectorSubcoreMesh(core_axis_name="c", subcore_axis_name="s")


@functools.partial(
    pl.kernel,
    mesh=_sc_mesh,
    out_type=[
        jax.ShapeDtypeStruct((NC, P, D), jnp.float32),
        jax.ShapeDtypeStruct((NC, P, D), jnp.float32),
    ],
    scratch_types=[
        pltpu.VMEM((CH, D), jnp.float32),
        pltpu.VMEM((CH, D), jnp.float32),
        pltpu.VMEM((CH,), jnp.int32),
        pltpu.VMEM((CH,), jnp.int32),
        pltpu.VMEM((CH, D), jnp.float32),
        pltpu.VMEM((PPT, D), jnp.float32),
        pltpu.VMEM_SHARED((P, D), jnp.float32),
        pltpu.VMEM_SHARED((P, D), jnp.float32),
        pltpu.SemaphoreType.DMA,
        pltpu.SemaphoreType.DMA,
    ],
)
def _sc_segsum(fn_hbm, lab_hbm, pp_out, cc_out,
               rows_v0, rows_v1, idx_v0, idx_v1, ones_v, pstage_v,
               pacc_sh, cacc_sh, gsem, ssem):
    c = lax.axis_index("c")
    s = lax.axis_index("s")
    base = (c * NS + s) * RPT
    rows_b = (rows_v0, rows_v1)
    idx_b = (idx_v0, idx_v1)

    zeros16 = jnp.zeros((L,), jnp.float32)
    ones16 = jnp.ones((L,), jnp.float32)

    def _zero_stage(r, _):
        for k in range(D // L):
            pstage_v[r, pl.ds(k * L, L)] = zeros16
        return 0

    lax.fori_loop(0, PPT, _zero_stage, 0)

    def _ones_row(r, _):
        for k in range(D // L):
            ones_v[r, pl.ds(k * L, L)] = ones16
        return 0

    lax.fori_loop(0, CH, _ones_row, 0)

    pltpu.sync_copy(pstage_v, pacc_sh.at[pl.ds(s * PPT, PPT)])
    pltpu.sync_copy(pstage_v, cacc_sh.at[pl.ds(s * PPT, PPT)])
    plsc.subcore_barrier()

    def _start_gather(j):
        hi = pltpu.async_copy(
            lab_hbm.at[pl.ds(base + j * CH, CH)], idx_b[j % 2], gsem)
        hr = pltpu.async_copy(
            fn_hbm.at[pl.ds(base + j * CH, CH)], rows_b[j % 2], gsem)
        return hi, hr

    handles = _start_gather(0)
    scat = []
    for j in range(NCH):
        handles[0].wait()
        handles[1].wait()
        riv, iiv = rows_b[j % 2], idx_b[j % 2]
        if j + 1 < NCH:
            handles = _start_gather(j + 1)
        scat.append(pltpu.async_copy(riv, pacc_sh.at[iiv], ssem, add=True))
        scat.append(pltpu.async_copy(ones_v, cacc_sh.at[iiv], ssem, add=True))

    for h in scat:
        h.wait()
    plsc.subcore_barrier()

    pltpu.sync_copy(pacc_sh.at[pl.ds(s * PPT, PPT)], pstage_v)
    pltpu.sync_copy(cacc_sh.at[pl.ds(s * PPT, PPT)], rows_v0.at[pl.ds(0, PPT)])
    h0 = pltpu.async_copy(pstage_v, pp_out.at[c, pl.ds(s * PPT, PPT)], gsem)
    h1 = pltpu.async_copy(rows_v0.at[pl.ds(0, PPT)],
                          cc_out.at[c, pl.ds(s * PPT, PPT)], gsem)
    h0.wait()
    h1.wait()


def _stage2_body(fn_ref, pp_ref, cc_ref, lab_ref, loss_ref, ps_ref):
    i = pl.program_id(0)

    @pl.when(i == 0)
    def _():
        protos = pp_ref[0] + pp_ref[1]
        cnt = cc_ref[0, :, 0:1] + cc_ref[1, :, 0:1]
        inv = 1.0 / (TEMP * (cnt + 1e-9))
        pscale = protos * inv
        bias = jnp.where(cnt > 0.0, 0.0, -1e30)
        ps_ref[...] = jnp.concatenate(
            [pscale, bias, jnp.zeros((P, DE - D - 1), jnp.float32)], axis=1)

    fn = fn_ref[...]
    fn_ext = jnp.concatenate([fn, jnp.ones((BLK2, DE - D), jnp.float32)], axis=1)
    z = lax.dot_general(fn_ext, ps_ref[...], (((1,), (1,)), ((), ())),
                        preferred_element_type=jnp.float32)
    s = jnp.sum(jnp.exp(z), axis=1, keepdims=True)
    lab = lab_ref[0, 0, :]
    oh = (lab[:, None] == lax.broadcasted_iota(jnp.int32, (BLK2, P), 1)
          ).astype(jnp.float32)
    tgt = jnp.sum(z * oh, axis=1, keepdims=True)
    part = jnp.sum(jnp.log(s) - tgt, axis=0, keepdims=True)

    @pl.when(i == 0)
    def _():
        loss_ref[...] = part

    @pl.when(i > 0)
    def _():
        loss_ref[...] += part

    @pl.when(i == NBLK2 - 1)
    def _():
        loss_ref[...] = loss_ref[...] / N


def kernel(features, class_labels, concept_labels):
    del class_labels
    lab3 = concept_labels.reshape(NBLK2, 1, BLK2)

    fn = pl.pallas_call(
        _norm_body,
        grid=(NBLK,),
        in_specs=[pl.BlockSpec((BLK, D), lambda i: (i, 0))],
        out_specs=pl.BlockSpec((BLK, D), lambda i: (i, 0)),
        out_shape=jax.ShapeDtypeStruct((N, D), jnp.float32),
    )(features)

    pp, cc = _sc_segsum(fn, concept_labels)

    loss = pl.pallas_call(
        _stage2_body,
        grid=(NBLK2,),
        in_specs=[
            pl.BlockSpec((BLK2, D), lambda i: (i, 0)),
            pl.BlockSpec((NC, P, D), lambda i: (0, 0, 0)),
            pl.BlockSpec((NC, P, D), lambda i: (0, 0, 0)),
            pl.BlockSpec((1, 1, BLK2), lambda i: (i, 0, 0)),
        ],
        out_specs=pl.BlockSpec((1, 1), lambda i: (0, 0)),
        out_shape=jax.ShapeDtypeStruct((1, 1), jnp.float32),
        scratch_shapes=[pltpu.VMEM((P, DE), jnp.float32)],
    )(fn, pp, cc, lab3)

    return loss[0, 0]

# --- scband reference (transcript-rebuilt; emitter-appended) ---
"""Pipeline reference for scband-prototype-contrastive-loss-64759516889388 (READ-ONLY COPY).

The authoritative reference and input builder live on the scoring server;
editing this copy changes nothing except your own understanding.
"""

import jax, jax.numpy as jnp
import numpy as np

TEMPERATURE = 0.07
NUM_CONCEPT_IDS = 1000


def setup_inputs(seed: int = 0) -> dict:
    key = jax.random.key(seed)
    k1, k2, k3 = jax.random.split(key, 3)
    features = jax.random.normal(k1, (16384, 128), dtype=jnp.float32)
    class_labels = jax.random.randint(k2, (16384,), 0, 100, dtype=jnp.int32)
    concept_labels = jax.random.randint(k3, (16384,), 0, 1000, dtype=jnp.int32)
    return {"features": features, "class_labels": class_labels, "concept_labels": concept_labels}


def reference(features, class_labels, concept_labels):
    # F.normalize(features, dim=1) with eps=1e-12 (torch default)
    norms = jnp.linalg.norm(features, axis=1, keepdims=True)
    feat = features / jnp.maximum(norms, 1e-12)
    # torch.unique(sorted=True, return_inverse=True)
    unique_labels, inverse = jnp.unique(concept_labels, return_inverse=True, size=NUM_CONCEPT_IDS)
    inverse = inverse.reshape(-1)
    num_prototypes = int(unique_labels.shape[0])
    # prototypes.index_add_(0, inverse, feat)
    prototypes = jax.ops.segment_sum(feat, inverse, num_segments=num_prototypes)
    # counts = bincount(inverse, minlength=num_prototypes).unsqueeze(1)
    counts = jnp.bincount(inverse, minlength=num_prototypes, length=num_prototypes).astype(feat.dtype)[:, None]
    prototypes = prototypes / (counts + 1e-09)
    # logits = feat @ prototypes.T / temperature
    logits = jnp.matmul(feat, prototypes.T) / TEMPERATURE
    # F.cross_entropy(logits, inverse) with mean reduction
    valid = counts[:, 0] > 0
    masked_logits = jnp.where(valid[None, :], logits, -jnp.inf)
    logp = logits - jax.scipy.special.logsumexp(masked_logits, axis=1, keepdims=True)
    nll = -logp[jnp.arange(feat.shape[0]), inverse]
    loss = jnp.mean(nll)
    return loss

if __name__ == "__main__":
    import jax
    _d = setup_inputs()
    print(jax.jit(kernel)(*tuple(_d.values())))

</pallas_src>

<mosaic_0001>
#map = affine_map<(d0, d1) -> (0, 0)>
#map1 = affine_map<(d0, d1) -> (0)>
#map2 = affine_map<(d0, d1) -> (0, 0, 0)>
module attributes {stable_mosaic.version = 14 : i64} {
  func.func @_sc_segsum(%arg0: i32, %arg1: i32, %arg2: memref<16384x128xf32, #tpu.memory_space<hbm>>, %arg3: memref<16384xi32, #tpu.memory_space<hbm>>, %arg4: memref<2x1024x128xf32, #tpu.memory_space<hbm>>, %arg5: memref<2x1024x128xf32, #tpu.memory_space<hbm>>, %arg6: memref<128x128xf32, #tpu.memory_space<vmem>>, %arg7: memref<128x128xf32, #tpu.memory_space<vmem>>, %arg8: memref<128xi32, #tpu.memory_space<vmem>>, %arg9: memref<128xi32, #tpu.memory_space<vmem>>, %arg10: memref<128x128xf32, #tpu.memory_space<vmem>>, %arg11: memref<64x128xf32, #tpu.memory_space<vmem>>, %arg12: memref<1024x128xf32, #tpu.memory_space<vmem_shared>>, %arg13: memref<1024x128xf32, #tpu.memory_space<vmem_shared>>, %arg14: memref<!tpu.dma_semaphore, #tpu.memory_space<semaphore_mem>>, %arg15: memref<!tpu.dma_semaphore, #tpu.memory_space<semaphore_mem>>) attributes {dimension_semantics = [#tpu.dimension_semantics<core_parallel>, #tpu.dimension_semantics<subcore_parallel>], iteration_bounds = array<i64: 2, 16>, scalar_prefetch = 0 : i64, scratch_operands = 10 : i64, tpu.core_type = #tpu.core_type<sc_vector_subcore>, window_params = [{transform_indices = #map}, {transform_indices = #map1}, {transform_indices = #map2}, {transform_indices = #map2}]} {
    %mul3A = arith.constant 16 : i32
    %mul3A_0 = arith.muli %arg0, %mul3A : i32
    %add3A = arith.addi %mul3A_0, %arg1 : i32
    %mul3A_1 = arith.constant 512 : i32
    %mul3A_2 = arith.muli %add3A, %mul3A_1 : i32
    %broadcast_in_dim3A = arith.constant 0.000000e+00 : f32
    %broadcast_in_dim3A_3 = vector.broadcast %broadcast_in_dim3A : f32 to vector<16xf32>
    %broadcast_in_dim3A_4 = arith.constant 1.000000e+00 : f32
    %broadcast_in_dim3A_5 = vector.broadcast %broadcast_in_dim3A_4 : f32 to vector<16xf32>
    %scan3A = arith.constant 0 : i32
    %scan3A_6 = arith.constant 0 : i32
    %scan3A_7 = arith.constant 64 : i32
    %scan3A_8 = arith.addi %scan3A_6, %scan3A_7 : i32
    %scan3A_9 = arith.constant 1 : i32
    %scan3A_10 = scf.for %scan3A_178 = %scan3A_6 to %scan3A_8 step %scan3A_9 iter_args(%scan3A_179 = %scan3A) -> (i32)  : i32 {
      %swap3A = arith.index_cast %scan3A_178 : i32 to index
      %swap3A_180 = arith.constant 0 : index
      %swap3A_181 = tpu.vector_load %arg11[%swap3A, %swap3A_180] {strides = array<i32>} : memref<64x128xf32, #tpu.memory_space<vmem>>, vector<1x16xf32>,
      %swap3A_182 = vector.shape_cast %swap3A_181 : vector<1x16xf32> to vector<16xf32>
      %swap3A_183 = vector.shape_cast %broadcast_in_dim3A_3 : vector<16xf32> to vector<1x16xf32>
      tpu.vector_store %arg11[%swap3A, %swap3A_180], %swap3A_183 {strides = array<i32>} : memref<64x128xf32, #tpu.memory_space<vmem>>, vector<1x16xf32>,
      %swap3A_184 = arith.index_cast %scan3A_178 : i32 to index
      %swap3A_185 = arith.constant 16 : index
      %swap3A_186 = tpu.vector_load %arg11[%swap3A_184, %swap3A_185] {strides = array<i32>} : memref<64x128xf32, #tpu.memory_space<vmem>>, vector<1x16xf32>,
      %swap3A_187 = vector.shape_cast %swap3A_186 : vector<1x16xf32> to vector<16xf32>
      %swap3A_188 = vector.shape_cast %broadcast_in_dim3A_3 : vector<16xf32> to vector<1x16xf32>
      tpu.vector_store %arg11[%swap3A_184, %swap3A_185], %swap3A_188 {strides = array<i32>} : memref<64x128xf32, #tpu.memory_space<vmem>>, vector<1x16xf32>,
      %swap3A_189 = arith.index_cast %scan3A_178 : i32 to index
      %swap3A_190 = arith.constant 32 : index
      %swap3A_191 = tpu.vector_load %arg11[%swap3A_189, %swap3A_190] {strides = array<i32>} : memref<64x128xf32, #tpu.memory_space<vmem>>, vector<1x16xf32>,
      %swap3A_192 = vector.shape_cast %swap3A_191 : vector<1x16xf32> to vector<16xf32>
      %swap3A_193 = vector.shape_cast %broadcast_in_dim3A_3 : vector<16xf32> to vector<1x16xf32>
      tpu.vector_store %arg11[%swap3A_189, %swap3A_190], %swap3A_193 {strides = array<i32>} : memref<64x128xf32, #tpu.memory_space<vmem>>, vector<1x16xf32>,
      %swap3A_194 = arith.index_cast %scan3A_178 : i32 to index
      %swap3A_195 = arith.constant 48 : index
      %swap3A_196 = tpu.vector_load %arg11[%swap3A_194, %swap3A_195] {strides = array<i32>} : memref<64x128xf32, #tpu.memory_space<vmem>>, vector<1x16xf32>,
      %swap3A_197 = vector.shape_cast %swap3A_196 : vector<1x16xf32> to vector<16xf32>
      %swap3A_198 = vector.shape_cast %broadcast_in_dim3A_3 : vector<16xf32> to vector<1x16xf32>
      tpu.vector_store %arg11[%swap3A_194, %swap3A_195], %swap3A_198 {strides = array<i32>} : memref<64x128xf32, #tpu.memory_space<vmem>>, vector<1x16xf32>,
      %swap3A_199 = arith.index_cast %scan3A_178 : i32 to index
      %swap3A_200 = arith.constant 64 : index
      %swap3A_201 = tpu.vector_load %arg11[%swap3A_199, %swap3A_200] {strides = array<i32>} : memref<64x128xf32, #tpu.memory_space<vmem>>, vector<1x16xf32>,
      %swap3A_202 = vector.shape_cast %swap3A_201 : vector<1x16xf32> to vector<16xf32>
      %swap3A_203 = vector.shape_cast %broadcast_in_dim3A_3 : vector<16xf32> to vector<1x16xf32>
      tpu.vector_store %arg11[%swap3A_199, %swap3A_200], %swap3A_203 {strides = array<i32>} : memref<64x128xf32, #tpu.memory_space<vmem>>, vector<1x16xf32>,
      %swap3A_204 = arith.index_cast %scan3A_178 : i32 to index
      %swap3A_205 = arith.constant 80 : index
      %swap3A_206 = tpu.vector_load %arg11[%swap3A_204, %swap3A_205] {strides = array<i32>} : memref<64x128xf32, #tpu.memory_space<vmem>>, vector<1x16xf32>,
      %swap3A_207 = vector.shape_cast %swap3A_206 : vector<1x16xf32> to vector<16xf32>
      %swap3A_208 = vector.shape_cast %broadcast_in_dim3A_3 : vector<16xf32> to vector<1x16xf32>
      tpu.vector_store %arg11[%swap3A_204, %swap3A_205], %swap3A_208 {strides = array<i32>} : memref<64x128xf32, #tpu.memory_space<vmem>>, vector<1x16xf32>,
      %swap3A_209 = arith.index_cast %scan3A_178 : i32 to index
      %swap3A_210 = arith.constant 96 : index
      %swap3A_211 = tpu.vector_load %arg11[%swap3A_209, %swap3A_210] {strides = array<i32>} : memref<64x128xf32, #tpu.memory_space<vmem>>, vector<1x16xf32>,
      %swap3A_212 = vector.shape_cast %swap3A_211 : vector<1x16xf32> to vector<16xf32>
      %swap3A_213 = vector.shape_cast %broadcast_in_dim3A_3 : vector<16xf32> to vector<1x16xf32>
      tpu.vector_store %arg11[%swap3A_209, %swap3A_210], %swap3A_213 {strides = array<i32>} : memref<64x128xf32, #tpu.memory_space<vmem>>, vector<1x16xf32>,
      %swap3A_214 = arith.index_cast %scan3A_178 : i32 to index
      %swap3A_215 = arith.constant 112 : index
      %swap3A_216 = tpu.vector_load %arg11[%swap3A_214, %swap3A_215] {strides = array<i32>} : memref<64x128xf32, #tpu.memory_space<vmem>>, vector<1x16xf32>,
      %swap3A_217 = vector.shape_cast %swap3A_216 : vector<1x16xf32> to vector<16xf32>
      %swap3A_218 = vector.shape_cast %broadcast_in_dim3A_3 : vector<16xf32> to vector<1x16xf32>
      tpu.vector_store %arg11[%swap3A_214, %swap3A_215], %swap3A_218 {strides = array<i32>} : memref<64x128xf32, #tpu.memory_space<vmem>>, vector<1x16xf32>,
      %scan3A_219 = arith.constant 0 : i32
      scf.yield %scan3A_219 : i32
    }
    %scan3A_11 = arith.constant 64 : i32
    %scan3A_12 = arith.constant 0 : i32
    %scan3A_13 = arith.constant 0 : i32
    %scan3A_14 = arith.constant 128 : i32
    %scan3A_15 = arith.addi %scan3A_13, %scan3A_14 : i32
    %scan3A_16 = arith.constant 1 : i32
    %scan3A_17 = scf.for %scan3A_178 = %scan3A_13 to %scan3A_15 step %scan3A_16 iter_args(%scan3A_179 = %scan3A_12) -> (i32)  : i32 {
      %swap3A = arith.index_cast %scan3A_178 : i32 to index
      %swap3A_180 = arith.constant 0 : index
      %swap3A_181 = tpu.vector_load %arg10[%swap3A, %swap3A_180] {strides = array<i32>} : memref<128x128xf32, #tpu.memory_space<vmem>>, vector<1x16xf32>,
      %swap3A_182 = vector.shape_cast %swap3A_181 : vector<1x16xf32> to vector<16xf32>
      %swap3A_183 = vector.shape_cast %broadcast_in_dim3A_5 : vector<16xf32> to vector<1x16xf32>
      tpu.vector_store %arg10[%swap3A, %swap3A_180], %swap3A_183 {strides = array<i32>} : memref<128x128xf32, #tpu.memory_space<vmem>>, vector<1x16xf32>,
      %swap3A_184 = arith.index_cast %scan3A_178 : i32 to index
      %swap3A_185 = arith.constant 16 : index
      %swap3A_186 = tpu.vector_load %arg10[%swap3A_184, %swap3A_185] {strides = array<i32>} : memref<128x128xf32, #tpu.memory_space<vmem>>, vector<1x16xf32>,
      %swap3A_187 = vector.shape_cast %swap3A_186 : vector<1x16xf32> to vector<16xf32>
      %swap3A_188 = vector.shape_cast %broadcast_in_dim3A_5 : vector<16xf32> to vector<1x16xf32>
      tpu.vector_store %arg10[%swap3A_184, %swap3A_185], %swap3A_188 {strides = array<i32>} : memref<128x128xf32, #tpu.memory_space<vmem>>, vector<1x16xf32>,
      %swap3A_189 = arith.index_cast %scan3A_178 : i32 to index
      %swap3A_190 = arith.constant 32 : index
      %swap3A_191 = tpu.vector_load %arg10[%swap3A_189, %swap3A_190] {strides = array<i32>} : memref<128x128xf32, #tpu.memory_space<vmem>>, vector<1x16xf32>,
      %swap3A_192 = vector.shape_cast %swap3A_191 : vector<1x16xf32> to vector<16xf32>
      %swap3A_193 = vector.shape_cast %broadcast_in_dim3A_5 : vector<16xf32> to vector<1x16xf32>
      tpu.vector_store %arg10[%swap3A_189, %swap3A_190], %swap3A_193 {strides = array<i32>} : memref<128x128xf32, #tpu.memory_space<vmem>>, vector<1x16xf32>,
      %swap3A_194 = arith.index_cast %scan3A_178 : i32 to index
      %swap3A_195 = arith.constant 48 : index
      %swap3A_196 = tpu.vector_load %arg10[%swap3A_194, %swap3A_195] {strides = array<i32>} : memref<128x128xf32, #tpu.memory_space<vmem>>, vector<1x16xf32>,
      %swap3A_197 = vector.shape_cast %swap3A_196 : vector<1x16xf32> to vector<16xf32>
      %swap3A_198 = vector.shape_cast %broadcast_in_dim3A_5 : vector<16xf32> to vector<1x16xf32>
      tpu.vector_store %arg10[%swap3A_194, %swap3A_195], %swap3A_198 {strides = array<i32>} : memref<128x128xf32, #tpu.memory_space<vmem>>, vector<1x16xf32>,
      %swap3A_199 = arith.index_cast %scan3A_178 : i32 to index
      %swap3A_200 = arith.constant 64 : index
      %swap3A_201 = tpu.vector_load %arg10[%swap3A_199, %swap3A_200] {strides = array<i32>} : memref<128x128xf32, #tpu.memory_space<vmem>>, vector<1x16xf32>,
      %swap3A_202 = vector.shape_cast %swap3A_201 : vector<1x16xf32> to vector<16xf32>
      %swap3A_203 = vector.shape_cast %broadcast_in_dim3A_5 : vector<16xf32> to vector<1x16xf32>
      tpu.vector_store %arg10[%swap3A_199, %swap3A_200], %swap3A_203 {strides = array<i32>} : memref<128x128xf32, #tpu.memory_space<vmem>>, vector<1x16xf32>,
      %swap3A_204 = arith.index_cast %scan3A_178 : i32 to index
      %swap3A_205 = arith.constant 80 : index
      %swap3A_206 = tpu.vector_load %arg10[%swap3A_204, %swap3A_205] {strides = array<i32>} : memref<128x128xf32, #tpu.memory_space<vmem>>, vector<1x16xf32>,
      %swap3A_207 = vector.shape_cast %swap3A_206 : vector<1x16xf32> to vector<16xf32>
      %swap3A_208 = vector.shape_cast %broadcast_in_dim3A_5 : vector<16xf32> to vector<1x16xf32>
      tpu.vector_store %arg10[%swap3A_204, %swap3A_205], %swap3A_208 {strides = array<i32>} : memref<128x128xf32, #tpu.memory_space<vmem>>, vector<1x16xf32>,
      %swap3A_209 = arith.index_cast %scan3A_178 : i32 to index
      %swap3A_210 = arith.constant 96 : index
      %swap3A_211 = tpu.vector_load %arg10[%swap3A_209, %swap3A_210] {strides = array<i32>} : memref<128x128xf32, #tpu.memory_space<vmem>>, vector<1x16xf32>,
      %swap3A_212 = vector.shape_cast %swap3A_211 : vector<1x16xf32> to vector<16xf32>
      %swap3A_213 = vector.shape_cast %broadcast_in_dim3A_5 : vector<16xf32> to vector<1x16xf32>
      tpu.vector_store %arg10[%swap3A_209, %swap3A_210], %swap3A_213 {strides = array<i32>} : memref<128x128xf32, #tpu.memory_space<vmem>>, vector<1x16xf32>,
      %swap3A_214 = arith.index_cast %scan3A_178 : i32 to index
      %swap3A_215 = arith.constant 112 : index
      %swap3A_216 = tpu.vector_load %arg10[%swap3A_214, %swap3A_215] {strides = array<i32>} : memref<128x128xf32, #tpu.memory_space<vmem>>, vector<1x16xf32>,
      %swap3A_217 = vector.shape_cast %swap3A_216 : vector<1x16xf32> to vector<16xf32>
      %swap3A_218 = vector.shape_cast %broadcast_in_dim3A_5 : vector<16xf32> to vector<1x16xf32>
      tpu.vector_store %arg10[%swap3A_214, %swap3A_215], %swap3A_218 {strides = array<i32>} : memref<128x128xf32, #tpu.memory_space<vmem>>, vector<1x16xf32>,
      %scan3A_219 = arith.constant 0 : i32
      scf.yield %scan3A_219 : i32
    }
    %scan3A_18 = arith.constant 128 : i32
    %mul3A_19 = arith.constant 64 : i32
    %mul3A_20 = arith.muli %arg1, %mul3A_19 : i32
    "tpu.region"() ({
      %run_scoped3A = tpu.sem_alloc : memref<!tpu.dma_semaphore, #tpu.memory_space<semaphore_mem>>
      %dma_start3A_178 = arith.constant 0 : i32
      %dma_start3A_179 = tpu.memref_slice %arg12[%mul3A_20, %dma_start3A_178] : memref<1024x128xf32, #tpu.memory_space<vmem_shared>> -> memref<64x128xf32, #tpu.memory_space<vmem_shared>>
      %dma_start3A_180 = arith.constant 0 : i32
      %dma_start3A_181 = tpu.memref_slice %arg12[%mul3A_20, %dma_start3A_180] : memref<1024x128xf32, #tpu.memory_space<vmem_shared>> -> memref<64x128xf32, #tpu.memory_space<vmem_shared>>
      tpu.enqueue_dma source(%arg11 : memref<64x128xf32, #tpu.memory_space<vmem>>) target(%dma_start3A_181 : memref<64x128xf32, #tpu.memory_space<vmem_shared>>) target_semaphore(%run_scoped3A : memref<!tpu.dma_semaphore, #tpu.memory_space<semaphore_mem>>)
      %dma_wait3A_182 = arith.constant 0 : i32
      %dma_wait3A_183 = tpu.memref_slice %arg12[%mul3A_20, %dma_wait3A_182] : memref<1024x128xf32, #tpu.memory_space<vmem_shared>> -> memref<64x128xf32, #tpu.memory_space<vmem_shared>>
      %dma_wait3A_184 = arith.constant 0 : i32
      %dma_wait3A_185 = tpu.memref_slice %arg12[%mul3A_20, %dma_wait3A_184] : memref<1024x128xf32, #tpu.memory_space<vmem_shared>> -> memref<64x128xf32, #tpu.memory_space<vmem_shared>>
      tpu.wait_dma2 semaphore(%run_scoped3A : memref<!tpu.dma_semaphore, #tpu.memory_space<semaphore_mem>>) src(%arg11 : memref<64x128xf32, #tpu.memory_space<vmem>>) dst(%dma_wait3A_185 : memref<64x128xf32, #tpu.memory_space<vmem_shared>>)
      tpu.yield
    }) : () -> ()
    %mul3A_21 = arith.constant 64 : i32
    %mul3A_22 = arith.muli %arg1, %mul3A_21 : i32
    "tpu.region"() ({
      %run_scoped3A = tpu.sem_alloc : memref<!tpu.dma_semaphore, #tpu.memory_space<semaphore_mem>>
      %dma_start3A_178 = arith.constant 0 : i32
      %dma_start3A_179 = tpu.memref_slice %arg13[%mul3A_22, %dma_start3A_178] : memref<1024x128xf32, #tpu.memory_space<vmem_shared>> -> memref<64x128xf32, #tpu.memory_space<vmem_shared>>
      %dma_start3A_180 = arith.constant 0 : i32
      %dma_start3A_181 = tpu.memref_slice %arg13[%mul3A_22, %dma_start3A_180] : memref<1024x128xf32, #tpu.memory_space<vmem_shared>> -> memref<64x128xf32, #tpu.memory_space<vmem_shared>>
      tpu.enqueue_dma source(%arg11 : memref<64x128xf32, #tpu.memory_space<vmem>>) target(%dma_start3A_181 : memref<64x128xf32, #tpu.memory_space<vmem_shared>>) target_semaphore(%run_scoped3A : memref<!tpu.dma_semaphore, #tpu.memory_space<semaphore_mem>>)
      %dma_wait3A_182 = arith.constant 0 : i32
      %dma_wait3A_183 = tpu.memref_slice %arg13[%mul3A_22, %dma_wait3A_182] : memref<1024x128xf32, #tpu.memory_space<vmem_shared>> -> memref<64x128xf32, #tpu.memory_space<vmem_shared>>
      %dma_wait3A_184 = arith.constant 0 : i32
      %dma_wait3A_185 = tpu.memref_slice %arg13[%mul3A_22, %dma_wait3A_184] : memref<1024x128xf32, #tpu.memory_space<vmem_shared>> -> memref<64x128xf32, #tpu.memory_space<vmem_shared>>
      tpu.wait_dma2 semaphore(%run_scoped3A : memref<!tpu.dma_semaphore, #tpu.memory_space<semaphore_mem>>) src(%arg11 : memref<64x128xf32, #tpu.memory_space<vmem>>) dst(%dma_wait3A_185 : memref<64x128xf32, #tpu.memory_space<vmem_shared>>)
      tpu.yield
    }) : () -> ()
    %barrier3A = arith.constant 0 : index
    tpu.barrier barrier_id(%barrier3A)
    %add3A_23 = arith.constant 0 : i32
    %add3A_24 = arith.addi %mul3A_2, %add3A_23 : i32
    %dma_start3A = tpu.memref_slice %arg3[%add3A_24] : memref<16384xi32, #tpu.memory_space<hbm>> -> memref<128xi32, #tpu.memory_space<hbm>>
    %dma_start3A_25 = tpu.memref_slice %arg3[%add3A_24] : memref<16384xi32, #tpu.memory_space<hbm>> -> memref<128xi32, #tpu.memory_space<hbm>>
    tpu.enqueue_dma source(%dma_start3A_25 : memref<128xi32, #tpu.memory_space<hbm>>) target(%arg8 : memref<128xi32, #tpu.memory_space<vmem>>) target_semaphore(%arg14 : memref<!tpu.dma_semaphore, #tpu.memory_space<semaphore_mem>>)
    %add3A_26 = arith.constant 0 : i32
    %add3A_27 = arith.addi %mul3A_2, %add3A_26 : i32
    %dma_start3A_28 = arith.constant 0 : i32
    %dma_start3A_29 = tpu.memref_slice %arg2[%add3A_27, %dma_start3A_28] : memref<16384x128xf32, #tpu.memory_space<hbm>> -> memref<128x128xf32, #tpu.memory_space<hbm>>
    %dma_start3A_30 = arith.constant 0 : i32
    %dma_start3A_31 = tpu.memref_slice %arg2[%add3A_27, %dma_start3A_30] : memref<16384x128xf32, #tpu.memory_space<hbm>> -> memref<128x128xf32, #tpu.memory_space<hbm>>
    tpu.enqueue_dma source(%dma_start3A_31 : memref<128x128xf32, #tpu.memory_space<hbm>>) target(%arg6 : memref<128x128xf32, #tpu.memory_space<vmem>>) target_semaphore(%arg14 : memref<!tpu.dma_semaphore, #tpu.memory_space<semaphore_mem>>)
    %dma_wait3A = tpu.memref_slice %arg3[%add3A_24] : memref<16384xi32, #tpu.memory_space<hbm>> -> memref<128xi32, #tpu.memory_space<hbm>>
    %dma_wait3A_32 = tpu.memref_slice %arg3[%add3A_24] : memref<16384xi32, #tpu.memory_space<hbm>> -> memref<128xi32, #tpu.memory_space<hbm>>
    tpu.wait_dma2 semaphore(%arg14 : memref<!tpu.dma_semaphore, #tpu.memory_space<semaphore_mem>>) src(%dma_wait3A_32 : memref<128xi32, #tpu.memory_space<hbm>>) dst(%arg8 : memref<128xi32, #tpu.memory_space<vmem>>)
    %dma_wait3A_33 = arith.constant 0 : i32
    %dma_wait3A_34 = tpu.memref_slice %arg2[%add3A_27, %dma_wait3A_33] : memref<16384x128xf32, #tpu.memory_space<hbm>> -> memref<128x128xf32, #tpu.memory_space<hbm>>
    %dma_wait3A_35 = arith.constant 0 : i32
    %dma_wait3A_36 = tpu.memref_slice %arg2[%add3A_27, %dma_wait3A_35] : memref<16384x128xf32, #tpu.memory_space<hbm>> -> memref<128x128xf32, #tpu.memory_space<hbm>>
    tpu.wait_dma2 semaphore(%arg14 : memref<!tpu.dma_semaphore, #tpu.memory_space<semaphore_mem>>) src(%dma_wait3A_36 : memref<128x128xf32, #tpu.memory_space<hbm>>) dst(%arg6 : memref<128x128xf32, #tpu.memory_space<vmem>>)
    %add3A_37 = arith.constant 128 : i32
    %add3A_38 = arith.addi %mul3A_2, %add3A_37 : i32
    %dma_start3A_39 = tpu.memref_slice %arg3[%add3A_38] : memref<16384xi32, #tpu.memory_space<hbm>> -> memref<128xi32, #tpu.memory_space<hbm>>
    %dma_start3A_40 = tpu.memref_slice %arg3[%add3A_38] : memref<16384xi32, #tpu.memory_space<hbm>> -> memref<128xi32, #tpu.memory_space<hbm>>
    tpu.enqueue_dma source(%dma_start3A_40 : memref<128xi32, #tpu.memory_space<hbm>>) target(%arg9 : memref<128xi32, #tpu.memory_space<vmem>>) target_semaphore(%arg14 : memref<!tpu.dma_semaphore, #tpu.memory_space<semaphore_mem>>)
    %add3A_41 = arith.constant 128 : i32
    %add3A_42 = arith.addi %mul3A_2, %add3A_41 : i32
    %dma_start3A_43 = arith.constant 0 : i32
    %dma_start3A_44 = tpu.memref_slice %arg2[%add3A_42, %dma_start3A_43] : memref<16384x128xf32, #tpu.memory_space<hbm>> -> memref<128x128xf32, #tpu.memory_space<hbm>>
    %dma_start3A_45 = arith.constant 0 : i32
    %dma_start3A_46 = tpu.memref_slice %arg2[%add3A_42, %dma_start3A_45] : memref<16384x128xf32, #tpu.memory_space<hbm>> -> memref<128x128xf32, #tpu.memory_space<hbm>>
    tpu.enqueue_dma source(%dma_start3A_46 : memref<128x128xf32, #tpu.memory_space<hbm>>) target(%arg7 : memref<128x128xf32, #tpu.memory_space<vmem>>) target_semaphore(%arg14 : memref<!tpu.dma_semaphore, #tpu.memory_space<semaphore_mem>>)
    %dma_start3A_47 = arith.constant 0 : i32
    %dma_start3A_48 = arith.constant 0 : i32
    %dma_start3A_49 = tpu.memref_slice %arg12[%dma_start3A_47, %dma_start3A_48] : memref<1024x128xf32, #tpu.memory_space<vmem_shared>> -> memref<1024x128xf32, #tpu.memory_space<vmem_shared>>
    tpu.enqueue_indirect_dma source(%arg6 : memref<128x128xf32, #tpu.memory_space<vmem>>) target(%dma_start3A_49 : memref<1024x128xf32, #tpu.memory_space<vmem_shared>>) offsets(%arg8 : memref<128xi32, #tpu.memory_space<vmem>>) semaphore(%arg15 : memref<!tpu.dma_semaphore, #tpu.memory_space<semaphore_mem>>) {add = true}
    %dma_start3A_50 = arith.constant 0 : i32
    %dma_start3A_51 = arith.constant 0 : i32
    %dma_start3A_52 = tpu.memref_slice %arg13[%dma_start3A_50, %dma_start3A_51] : memref<1024x128xf32, #tpu.memory_space<vmem_shared>> -> memref<1024x128xf32, #tpu.memory_space<vmem_shared>>
    tpu.enqueue_indirect_dma source(%arg10 : memref<128x128xf32, #tpu.memory_space<vmem>>) target(%dma_start3A_52 : memref<1024x128xf32, #tpu.memory_space<vmem_shared>>) offsets(%arg8 : memref<128xi32, #tpu.memory_space<vmem>>) semaphore(%arg15 : memref<!tpu.dma_semaphore, #tpu.memory_space<semaphore_mem>>) {add = true}
    %dma_wait3A_53 = tpu.memref_slice %arg3[%add3A_38] : memref<16384xi32, #tpu.memory_space<hbm>> -> memref<128xi32, #tpu.memory_space<hbm>>
    %dma_wait3A_54 = tpu.memref_slice %arg3[%add3A_38] : memref<16384xi32, #tpu.memory_space<hbm>> -> memref<128xi32, #tpu.memory_space<hbm>>
    tpu.wait_dma2 semaphore(%arg14 : memref<!tpu.dma_semaphore, #tpu.memory_space<semaphore_mem>>) src(%dma_wait3A_54 : memref<128xi32, #tpu.memory_space<hbm>>) dst(%arg9 : memref<128xi32, #tpu.memory_space<vmem>>)
    %dma_wait3A_55 = arith.constant 0 : i32
    %dma_wait3A_56 = tpu.memref_slice %arg2[%add3A_42, %dma_wait3A_55] : memref<16384x128xf32, #tpu.memory_space<hbm>> -> memref<128x128xf32, #tpu.memory_space<hbm>>
    %dma_wait3A_57 = arith.constant 0 : i32
    %dma_wait3A_58 = tpu.memref_slice %arg2[%add3A_42, %dma_wait3A_57] : memref<16384x128xf32, #tpu.memory_space<hbm>> -> memref<128x128xf32, #tpu.memory_space<hbm>>
    tpu.wait_dma2 semaphore(%arg14 : memref<!tpu.dma_semaphore, #tpu.memory_space<semaphore_mem>>) src(%dma_wait3A_58 : memref<128x128xf32, #tpu.memory_space<hbm>>) dst(%arg7 : memref<128x128xf32, #tpu.memory_space<vmem>>)
    %add3A_59 = arith.constant 256 : i32
    %add3A_60 = arith.addi %mul3A_2, %add3A_59 : i32
    %dma_start3A_61 = tpu.memref_slice %arg3[%add3A_60] : memref<16384xi32, #tpu.memory_space<hbm>> -> memref<128xi32, #tpu.memory_space<hbm>>
    %dma_start3A_62 = tpu.memref_slice %arg3[%add3A_60] : memref<16384xi32, #tpu.memory_space<hbm>> -> memref<128xi32, #tpu.memory_space<hbm>>
    tpu.enqueue_dma source(%dma_start3A_62 : memref<128xi32, #tpu.memory_space<hbm>>) target(%arg8 : memref<128xi32, #tpu.memory_space<vmem>>) target_semaphore(%arg14 : memref<!tpu.dma_semaphore, #tpu.memory_space<semaphore_mem>>)
    %add3A_63 = arith.constant 256 : i32
    %add3A_64 = arith.addi %mul3A_2, %add3A_63 : i32
    %dma_start3A_65 = arith.constant 0 : i32
    %dma_start3A_66 = tpu.memref_slice %arg2[%add3A_64, %dma_start3A_65] : memref<16384x128xf32, #tpu.memory_space<hbm>> -> memref<128x128xf32, #tpu.memory_space<hbm>>
    %dma_start3A_67 = arith.constant 0 : i32
    %dma_start3A_68 = tpu.memref_slice %arg2[%add3A_64, %dma_start3A_67] : memref<16384x128xf32, #tpu.memory_space<hbm>> -> memref<128x128xf32, #tpu.memory_space<hbm>>
    tpu.enqueue_dma source(%dma_start3A_68 : memref<128x128xf32, #tpu.memory_space<hbm>>) target(%arg6 : memref<128x128xf32, #tpu.memory_space<vmem>>) target_semaphore(%arg14 : memref<!tpu.dma_semaphore, #tpu.memory_space<semaphore_mem>>)
    %dma_start3A_69 = arith.constant 0 : i32
    %dma_start3A_70 = arith.constant 0 : i32
    %dma_start3A_71 = tpu.memref_slice %arg12[%dma_start3A_69, %dma_start3A_70] : memref<1024x128xf32, #tpu.memory_space<vmem_shared>> -> memref<1024x128xf32, #tpu.memory_space<vmem_shared>>
    tpu.enqueue_indirect_dma source(%arg7 : memref<128x128xf32, #tpu.memory_space<vmem>>) target(%dma_start3A_71 : memref<1024x128xf32, #tpu.memory_space<vmem_shared>>) offsets(%arg9 : memref<128xi32, #tpu.memory_space<vmem>>) semaphore(%arg15 : memref<!tpu.dma_semaphore, #tpu.memory_space<semaphore_mem>>) {add = true}
    %dma_start3A_72 = arith.constant 0 : i32
    %dma_start3A_73 = arith.constant 0 : i32
    %dma_start3A_74 = tpu.memref_slice %arg13[%dma_start3A_72, %dma_start3A_73] : memref<1024x128xf32, #tpu.memory_space<vmem_shared>> -> memref<1024x128xf32, #tpu.memory_space<vmem_shared>>
    tpu.enqueue_indirect_dma source(%arg10 : memref<128x128xf32, #tpu.memory_space<vmem>>) target(%dma_start3A_74 : memref<1024x128xf32, #tpu.memory_space<vmem_shared>>) offsets(%arg9 : memref<128xi32, #tpu.memory_space<vmem>>) semaphore(%arg15 : memref<!tpu.dma_semaphore, #tpu.memory_space<semaphore_mem>>) {add = true}
    %dma_wait3A_75 = tpu.memref_slice %arg3[%add3A_60] : memref<16384xi32, #tpu.memory_space<hbm>> -> memref<128xi32, #tpu.memory_space<hbm>>
    %dma_wait3A_76 = tpu.memref_slice %arg3[%add3A_60] : memref<16384xi32, #tpu.memory_space<hbm>> -> memref<128xi32, #tpu.memory_space<hbm>>
    tpu.wait_dma2 semaphore(%arg14 : memref<!tpu.dma_semaphore, #tpu.memory_space<semaphore_mem>>) src(%dma_wait3A_76 : memref<128xi32, #tpu.memory_space<hbm>>) dst(%arg8 : memref<128xi32, #tpu.memory_space<vmem>>)
    %dma_wait3A_77 = arith.constant 0 : i32
    %dma_wait3A_78 = tpu.memref_slice %arg2[%add3A_64, %dma_wait3A_77] : memref<16384x128xf32, #tpu.memory_space<hbm>> -> memref<128x128xf32, #tpu.memory_space<hbm>>
    %dma_wait3A_79 = arith.constant 0 : i32
    %dma_wait3A_80 = tpu.memref_slice %arg2[%add3A_64, %dma_wait3A_79] : memref<16384x128xf32, #tpu.memory_space<hbm>> -> memref<128x128xf32, #tpu.memory_space<hbm>>
    tpu.wait_dma2 semaphore(%arg14 : memref<!tpu.dma_semaphore, #tpu.memory_space<semaphore_mem>>) src(%dma_wait3A_80 : memref<128x128xf32, #tpu.memory_space<hbm>>) dst(%arg6 : memref<128x128xf32, #tpu.memory_space<vmem>>)
    %add3A_81 = arith.constant 384 : i32
    %add3A_82 = arith.addi %mul3A_2, %add3A_81 : i32
    %dma_start3A_83 = tpu.memref_slice %arg3[%add3A_82] : memref<16384xi32, #tpu.memory_space<hbm>> -> memref<128xi32, #tpu.memory_space<hbm>>
    %dma_start3A_84 = tpu.memref_slice %arg3[%add3A_82] : memref<16384xi32, #tpu.memory_space<hbm>> -> memref<128xi32, #tpu.memory_space<hbm>>
    tpu.enqueue_dma source(%dma_start3A_84 : memref<128xi32, #tpu.memory_space<hbm>>) target(%arg9 : memref<128xi32, #tpu.memory_space<vmem>>) target_semaphore(%arg14 : memref<!tpu.dma_semaphore, #tpu.memory_space<semaphore_mem>>)
    %add3A_85 = arith.constant 384 : i32
    %add3A_86 = arith.addi %mul3A_2, %add3A_85 : i32
    %dma_start3A_87 = arith.constant 0 : i32
    %dma_start3A_88 = tpu.memref_slice %arg2[%add3A_86, %dma_start3A_87] : memref<16384x128xf32, #tpu.memory_space<hbm>> -> memref<128x128xf32, #tpu.memory_space<hbm>>
    %dma_start3A_89 = arith.constant 0 : i32
    %dma_start3A_90 = tpu.memref_slice %arg2[%add3A_86, %dma_start3A_89] : memref<16384x128xf32, #tpu.memory_space<hbm>> -> memref<128x128xf32, #tpu.memory_space<hbm>>
    tpu.enqueue_dma source(%dma_start3A_90 : memref<128x128xf32, #tpu.memory_space<hbm>>) target(%arg7 : memref<128x128xf32, #tpu.memory_space<vmem>>) target_semaphore(%arg14 : memref<!tpu.dma_semaphore, #tpu.memory_space<semaphore_mem>>)
    %dma_start3A_91 = arith.constant 0 : i32
    %dma_start3A_92 = arith.constant 0 : i32
    %dma_start3A_93 = tpu.memref_slice %arg12[%dma_start3A_91, %dma_start3A_92] : memref<1024x128xf32, #tpu.memory_space<vmem_shared>> -> memref<1024x128xf32, #tpu.memory_space<vmem_shared>>
    tpu.enqueue_indirect_dma source(%arg6 : memref<128x128xf32, #tpu.memory_space<vmem>>) target(%dma_start3A_93 : memref<1024x128xf32, #tpu.memory_space<vmem_shared>>) offsets(%arg8 : memref<128xi32, #tpu.memory_space<vmem>>) semaphore(%arg15 : memref<!tpu.dma_semaphore, #tpu.memory_space<semaphore_mem>>) {add = true}
    %dma_start3A_94 = arith.constant 0 : i32
    %dma_start3A_95 = arith.constant 0 : i32
    %dma_start3A_96 = tpu.memref_slice %arg13[%dma_start3A_94, %dma_start3A_95] : memref<1024x128xf32, #tpu.memory_space<vmem_shared>> -> memref<1024x128xf32, #tpu.memory_space<vmem_shared>>
    tpu.enqueue_indirect_dma source(%arg10 : memref<128x128xf32, #tpu.memory_space<vmem>>) target(%dma_start3A_96 : memref<1024x128xf32, #tpu.memory_space<vmem_shared>>) offsets(%arg8 : memref<128xi32, #tpu.memory_space<vmem>>) semaphore(%arg15 : memref<!tpu.dma_semaphore, #tpu.memory_space<semaphore_mem>>) {add = true}
    %dma_wait3A_97 = tpu.memref_slice %arg3[%add3A_82] : memref<16384xi32, #tpu.memory_space<hbm>> -> memref<128xi32, #tpu.memory_space<hbm>>
    %dma_wait3A_98 = tpu.memref_slice %arg3[%add3A_82] : memref<16384xi32, #tpu.memory_space<hbm>> -> memref<128xi32, #tpu.memory_space<hbm>>
    tpu.wait_dma2 semaphore(%arg14 : memref<!tpu.dma_semaphore, #tpu.memory_space<semaphore_mem>>) src(%dma_wait3A_98 : memref<128xi32, #tpu.memory_space<hbm>>) dst(%arg9 : memref<128xi32, #tpu.memory_space<vmem>>)
    %dma_wait3A_99 = arith.constant 0 : i32
    %dma_wait3A_100 = tpu.memref_slice %arg2[%add3A_86, %dma_wait3A_99] : memref<16384x128xf32, #tpu.memory_space<hbm>> -> memref<128x128xf32, #tpu.memory_space<hbm>>
    %dma_wait3A_101 = arith.constant 0 : i32
    %dma_wait3A_102 = tpu.memref_slice %arg2[%add3A_86, %dma_wait3A_101] : memref<16384x128xf32, #tpu.memory_space<hbm>> -> memref<128x128xf32, #tpu.memory_space<hbm>>
    tpu.wait_dma2 semaphore(%arg14 : memref<!tpu.dma_semaphore, #tpu.memory_space<semaphore_mem>>) src(%dma_wait3A_102 : memref<128x128xf32, #tpu.memory_space<hbm>>) dst(%arg7 : memref<128x128xf32, #tpu.memory_space<vmem>>)
    %dma_start3A_103 = arith.constant 0 : i32
    %dma_start3A_104 = arith.constant 0 : i32
    %dma_start3A_105 = tpu.memref_slice %arg12[%dma_start3A_103, %dma_start3A_104] : memref<1024x128xf32, #tpu.memory_space<vmem_shared>> -> memref<1024x128xf32, #tpu.memory_space<vmem_shared>>
    tpu.enqueue_indirect_dma source(%arg7 : memref<128x128xf32, #tpu.memory_space<vmem>>) target(%dma_start3A_105 : memref<1024x128xf32, #tpu.memory_space<vmem_shared>>) offsets(%arg9 : memref<128xi32, #tpu.memory_space<vmem>>) semaphore(%arg15 : memref<!tpu.dma_semaphore, #tpu.memory_space<semaphore_mem>>) {add = true}
    %dma_start3A_106 = arith.constant 0 : i32
    %dma_start3A_107 = arith.constant 0 : i32
    %dma_start3A_108 = tpu.memref_slice %arg13[%dma_start3A_106, %dma_start3A_107] : memref<1024x128xf32, #tpu.memory_space<vmem_shared>> -> memref<1024x128xf32, #tpu.memory_space<vmem_shared>>
    tpu.enqueue_indirect_dma source(%arg10 : memref<128x128xf32, #tpu.memory_space<vmem>>) target(%dma_start3A_108 : memref<1024x128xf32, #tpu.memory_space<vmem_shared>>) offsets(%arg9 : memref<128xi32, #tpu.memory_space<vmem>>) semaphore(%arg15 : memref<!tpu.dma_semaphore, #tpu.memory_space<semaphore_mem>>) {add = true}
    %dma_wait3A_109 = arith.constant 0 : i32
    %dma_wait3A_110 = arith.constant 0 : i32
    %dma_wait3A_111 = tpu.memref_slice %arg12[%dma_wait3A_109, %dma_wait3A_110] : memref<1024x128xf32, #tpu.memory_space<vmem_shared>> -> memref<1024x128xf32, #tpu.memory_space<vmem_shared>>
    tpu.wait_indirect_dma semaphore(%arg15 : memref<!tpu.dma_semaphore, #tpu.memory_space<semaphore_mem>>) src(%arg6 : memref<128x128xf32, #tpu.memory_space<vmem>>) dst(%dma_wait3A_111 : memref<1024x128xf32, #tpu.memory_space<vmem_shared>>)
    %dma_wait3A_112 = arith.constant 0 : i32
    %dma_wait3A_113 = arith.constant 0 : i32
    %dma_wait3A_114 = tpu.memref_slice %arg13[%dma_wait3A_112, %dma_wait3A_113] : memref<1024x128xf32, #tpu.memory_space<vmem_shared>> -> memref<1024x128xf32, #tpu.memory_space<vmem_shared>>
    tpu.wait_indirect_dma semaphore(%arg15 : memref<!tpu.dma_semaphore, #tpu.memory_space<semaphore_mem>>) src(%arg10 : memref<128x128xf32, #tpu.memory_space<vmem>>) dst(%dma_wait3A_114 : memref<1024x128xf32, #tpu.memory_space<vmem_shared>>)
    %dma_wait3A_115 = arith.constant 0 : i32
    %dma_wait3A_116 = arith.constant 0 : i32
    %dma_wait3A_117 = tpu.memref_slice %arg12[%dma_wait3A_115, %dma_wait3A_116] : memref<1024x128xf32, #tpu.memory_space<vmem_shared>> -> memref<1024x128xf32, #tpu.memory_space<vmem_shared>>
    tpu.wait_indirect_dma semaphore(%arg15 : memref<!tpu.dma_semaphore, #tpu.memory_space<semaphore_mem>>) src(%arg7 : memref<128x128xf32, #tpu.memory_space<vmem>>) dst(%dma_wait3A_117 : memref<1024x128xf32, #tpu.memory_space<vmem_shared>>)
    %dma_wait3A_118 = arith.constant 0 : i32
    %dma_wait3A_119 = arith.constant 0 : i32
    %dma_wait3A_120 = tpu.memref_slice %arg13[%dma_wait3A_118, %dma_wait3A_119] : memref<1024x128xf32, #tpu.memory_space<vmem_shared>> -> memref<1024x128xf32, #tpu.memory_space<vmem_shared>>
    tpu.wait_indirect_dma semaphore(%arg15 : memref<!tpu.dma_semaphore, #tpu.memory_space<semaphore_mem>>) src(%arg10 : memref<128x128xf32, #tpu.memory_space<vmem>>) dst(%dma_wait3A_120 : memref<1024x128xf32, #tpu.memory_space<vmem_shared>>)
    %dma_wait3A_121 = arith.constant 0 : i32
    %dma_wait3A_122 = arith.constant 0 : i32
    %dma_wait3A_123 = tpu.memref_slice %arg12[%dma_wait3A_121, %dma_wait3A_122] : memref<1024x128xf32, #tpu.memory_space<vmem_shared>> -> memref<1024x128xf32, #tpu.memory_space<vmem_shared>>
    tpu.wait_indirect_dma semaphore(%arg15 : memref<!tpu.dma_semaphore, #tpu.memory_space<semaphore_mem>>) src(%arg6 : memref<128x128xf32, #tpu.memory_space<vmem>>) dst(%dma_wait3A_123 : memref<1024x128xf32, #tpu.memory_space<vmem_shared>>)
    %dma_wait3A_124 = arith.constant 0 : i32
    %dma_wait3A_125 = arith.constant 0 : i32
    %dma_wait3A_126 = tpu.memref_slice %arg13[%dma_wait3A_124, %dma_wait3A_125] : memref<1024x128xf32, #tpu.memory_space<vmem_shared>> -> memref<1024x128xf32, #tpu.memory_space<vmem_shared>>
    tpu.wait_indirect_dma semaphore(%arg15 : memref<!tpu.dma_semaphore, #tpu.memory_space<semaphore_mem>>) src(%arg10 : memref<128x128xf32, #tpu.memory_space<vmem>>) dst(%dma_wait3A_126 : memref<1024x128xf32, #tpu.memory_space<vmem_shared>>)
    %dma_wait3A_127 = arith.constant 0 : i32
    %dma_wait3A_128 = arith.constant 0 : i32
    %dma_wait3A_129 = tpu.memref_slice %arg12[%dma_wait3A_127, %dma_wait3A_128] : memref<1024x128xf32, #tpu.memory_space<vmem_shared>> -> memref<1024x128xf32, #tpu.memory_space<vmem_shared>>
    tpu.wait_indirect_dma semaphore(%arg15 : memref<!tpu.dma_semaphore, #tpu.memory_space<semaphore_mem>>) src(%arg7 : memref<128x128xf32, #tpu.memory_space<vmem>>) dst(%dma_wait3A_129 : memref<1024x128xf32, #tpu.memory_space<vmem_shared>>)
    %dma_wait3A_130 = arith.constant 0 : i32
    %dma_wait3A_131 = arith.constant 0 : i32
    %dma_wait3A_132 = tpu.memref_slice %arg13[%dma_wait3A_130, %dma_wait3A_131] : memref<1024x128xf32, #tpu.memory_space<vmem_shared>> -> memref<1024x128xf32, #tpu.memory_space<vmem_shared>>
    tpu.wait_indirect_dma semaphore(%arg15 : memref<!tpu.dma_semaphore, #tpu.memory_space<semaphore_mem>>) src(%arg10 : memref<128x128xf32, #tpu.memory_space<vmem>>) dst(%dma_wait3A_132 : memref<1024x128xf32, #tpu.memory_space<vmem_shared>>)
    %barrier3A_133 = arith.constant 0 : index
    tpu.barrier barrier_id(%barrier3A_133)
    %mul3A_134 = arith.constant 64 : i32
    %mul3A_135 = arith.muli %arg1, %mul3A_134 : i32
    "tpu.region"() ({
      %run_scoped3A = tpu.sem_alloc : memref<!tpu.dma_semaphore, #tpu.memory_space<semaphore_mem>>
      %dma_start3A_178 = arith.constant 0 : i32
      %dma_start3A_179 = tpu.memref_slice %arg12[%mul3A_135, %dma_start3A_178] : memref<1024x128xf32, #tpu.memory_space<vmem_shared>> -> memref<64x128xf32, #tpu.memory_space<vmem_shared>>
      %dma_start3A_180 = arith.constant 0 : i32
      %dma_start3A_181 = tpu.memref_slice %arg12[%mul3A_135, %dma_start3A_180] : memref<1024x128xf32, #tpu.memory_space<vmem_shared>> -> memref<64x128xf32, #tpu.memory_space<vmem_shared>>
      tpu.enqueue_dma source(%dma_start3A_181 : memref<64x128xf32, #tpu.memory_space<vmem_shared>>) target(%arg11 : memref<64x128xf32, #tpu.memory_space<vmem>>) target_semaphore(%run_scoped3A : memref<!tpu.dma_semaphore, #tpu.memory_space<semaphore_mem>>)
      %dma_wait3A_182 = arith.constant 0 : i32
      %dma_wait3A_183 = tpu.memref_slice %arg12[%mul3A_135, %dma_wait3A_182] : memref<1024x128xf32, #tpu.memory_space<vmem_shared>> -> memref<64x128xf32, #tpu.memory_space<vmem_shared>>
      %dma_wait3A_184 = arith.constant 0 : i32
      %dma_wait3A_185 = tpu.memref_slice %arg12[%mul3A_135, %dma_wait3A_184] : memref<1024x128xf32, #tpu.memory_space<vmem_shared>> -> memref<64x128xf32, #tpu.memory_space<vmem_shared>>
      tpu.wait_dma2 semaphore(%run_scoped3A : memref<!tpu.dma_semaphore, #tpu.memory_space<semaphore_mem>>) src(%dma_wait3A_185 : memref<64x128xf32, #tpu.memory_space<vmem_shared>>) dst(%arg11 : memref<64x128xf32, #tpu.memory_space<vmem>>)
      tpu.yield
    }) : () -> ()
    %mul3A_136 = arith.constant 64 : i32
    %mul3A_137 = arith.muli %arg1, %mul3A_136 : i32
    "tpu.region"() ({
      %run_scoped3A = tpu.sem_alloc : memref<!tpu.dma_semaphore, #tpu.memory_space<semaphore_mem>>
      %dma_start3A_178 = arith.constant 0 : i32
      %dma_start3A_179 = arith.constant 0 : i32
      %dma_start3A_180 = tpu.memref_slice %arg6[%dma_start3A_178, %dma_start3A_179] : memref<128x128xf32, #tpu.memory_space<vmem>> -> memref<64x128xf32, #tpu.memory_space<vmem>>
      %dma_start3A_181 = arith.constant 0 : i32
      %dma_start3A_182 = tpu.memref_slice %arg13[%mul3A_137, %dma_start3A_181] : memref<1024x128xf32, #tpu.memory_space<vmem_shared>> -> memref<64x128xf32, #tpu.memory_space<vmem_shared>>
      %dma_start3A_183 = arith.constant 0 : i32
      %dma_start3A_184 = arith.constant 0 : i32
      %dma_start3A_185 = tpu.memref_slice %arg6[%dma_start3A_183, %dma_start3A_184] : memref<128x128xf32, #tpu.memory_space<vmem>> -> memref<64x128xf32, #tpu.memory_space<vmem>>
      %dma_start3A_186 = arith.constant 0 : i32
      %dma_start3A_187 = tpu.memref_slice %arg13[%mul3A_137, %dma_start3A_186] : memref<1024x128xf32, #tpu.memory_space<vmem_shared>> -> memref<64x128xf32, #tpu.memory_space<vmem_shared>>
      tpu.enqueue_dma source(%dma_start3A_187 : memref<64x128xf32, #tpu.memory_space<vmem_shared>>) target(%dma_start3A_185 : memref<64x128xf32, #tpu.memory_space<vmem>>) target_semaphore(%run_scoped3A : memref<!tpu.dma_semaphore, #tpu.memory_space<semaphore_mem>>)
      %dma_wait3A_188 = arith.constant 0 : i32
      %dma_wait3A_189 = arith.constant 0 : i32
      %dma_wait3A_190 = tpu.memref_slice %arg6[%dma_wait3A_188, %dma_wait3A_189] : memref<128x128xf32, #tpu.memory_space<vmem>> -> memref<64x128xf32, #tpu.memory_space<vmem>>
      %dma_wait3A_191 = arith.constant 0 : i32
      %dma_wait3A_192 = tpu.memref_slice %arg13[%mul3A_137, %dma_wait3A_191] : memref<1024x128xf32, #tpu.memory_space<vmem_shared>> -> memref<64x128xf32, #tpu.memory_space<vmem_shared>>
      %dma_wait3A_193 = arith.constant 0 : i32
      %dma_wait3A_194 = arith.constant 0 : i32
      %dma_wait3A_195 = tpu.memref_slice %arg6[%dma_wait3A_193, %dma_wait3A_194] : memref<128x128xf32, #tpu.memory_space<vmem>> -> memref<64x128xf32, #tpu.memory_space<vmem>>
      %dma_wait3A_196 = arith.constant 0 : i32
      %dma_wait3A_197 = tpu.memref_slice %arg13[%mul3A_137, %dma_wait3A_196] : memref<1024x128xf32, #tpu.memory_space<vmem_shared>> -> memref<64x128xf32, #tpu.memory_space<vmem_shared>>
      tpu.wait_dma2 semaphore(%run_scoped3A : memref<!tpu.dma_semaphore, #tpu.memory_space<semaphore_mem>>) src(%dma_wait3A_197 : memref<64x128xf32, #tpu.memory_space<vmem_shared>>) dst(%dma_wait3A_195 : memref<64x128xf32, #tpu.memory_space<vmem>>)
      tpu.yield
    }) : () -> ()
    %mul3A_138 = arith.constant 64 : i32
    %mul3A_139 = arith.muli %arg1, %mul3A_138 : i32
    %dma_start3A_140 = arith.constant 0 : i32
    %dma_start3A_141 = tpu.memref_slice %arg4[%arg0, %mul3A_139, %dma_start3A_140] : memref<2x1024x128xf32, #tpu.memory_space<hbm>> -> memref<1x64x128xf32, #tpu.memory_space<hbm>>
    %dma_start3A_142 = tpu.memref_squeeze %dma_start3A_141 : memref<1x64x128xf32, #tpu.memory_space<hbm>> -> memref<64x128xf32, #tpu.memory_space<hbm>>
    %dma_start3A_143 = arith.constant 0 : i32
    %dma_start3A_144 = tpu.memref_slice %arg4[%arg0, %mul3A_139, %dma_start3A_143] : memref<2x1024x128xf32, #tpu.memory_space<hbm>> -> memref<1x64x128xf32, #tpu.memory_space<hbm>>
    %dma_start3A_145 = tpu.memref_squeeze %dma_start3A_144 : memref<1x64x128xf32, #tpu.memory_space<hbm>> -> memref<64x128xf32, #tpu.memory_space<hbm>>
    tpu.enqueue_dma source(%arg11 : memref<64x128xf32, #tpu.memory_space<vmem>>) target(%dma_start3A_145 : memref<64x128xf32, #tpu.memory_space<hbm>>) target_semaphore(%arg14 : memref<!tpu.dma_semaphore, #tpu.memory_space<semaphore_mem>>)
    %mul3A_146 = arith.constant 64 : i32
    %mul3A_147 = arith.muli %arg1, %mul3A_146 : i32
    %dma_start3A_148 = arith.constant 0 : i32
    %dma_start3A_149 = arith.constant 0 : i32
    %dma_start3A_150 = tpu.memref_slice %arg6[%dma_start3A_148, %dma_start3A_149] : memref<128x128xf32, #tpu.memory_space<vmem>> -> memref<64x128xf32, #tpu.memory_space<vmem>>
    %dma_start3A_151 = arith.constant 0 : i32
    %dma_start3A_152 = tpu.memref_slice %arg5[%arg0, %mul3A_147, %dma_start3A_151] : memref<2x1024x128xf32, #tpu.memory_space<hbm>> -> memref<1x64x128xf32, #tpu.memory_space<hbm>>
    %dma_start3A_153 = tpu.memref_squeeze %dma_start3A_152 : memref<1x64x128xf32, #tpu.memory_space<hbm>> -> memref<64x128xf32, #tpu.memory_space<hbm>>
    %dma_start3A_154 = arith.constant 0 : i32
    %dma_start3A_155 = tpu.memref_slice %arg5[%arg0, %mul3A_147, %dma_start3A_154] : memref<2x1024x128xf32, #tpu.memory_space<hbm>> -> memref<1x64x128xf32, #tpu.memory_space<hbm>>
    %dma_start3A_156 = tpu.memref_squeeze %dma_start3A_155 : memref<1x64x128xf32, #tpu.memory_space<hbm>> -> memref<64x128xf32, #tpu.memory_space<hbm>>
    %dma_start3A_157 = arith.constant 0 : i32
    %dma_start3A_158 = arith.constant 0 : i32
    %dma_start3A_159 = tpu.memref_slice %arg6[%dma_start3A_157, %dma_start3A_158] : memref<128x128xf32, #tpu.memory_space<vmem>> -> memref<64x128xf32, #tpu.memory_space<vmem>>
    tpu.enqueue_dma source(%dma_start3A_159 : memref<64x128xf32, #tpu.memory_space<vmem>>) target(%dma_start3A_156 : memref<64x128xf32, #tpu.memory_space<hbm>>) target_semaphore(%arg14 : memref<!tpu.dma_semaphore, #tpu.memory_space<semaphore_mem>>)
    %dma_wait3A_160 = arith.constant 0 : i32
    %dma_wait3A_161 = tpu.memref_slice %arg4[%arg0, %mul3A_139, %dma_wait3A_160] : memref<2x1024x128xf32, #tpu.memory_space<hbm>> -> memref<1x64x128xf32, #tpu.memory_space<hbm>>
    %dma_wait3A_162 = tpu.memref_squeeze %dma_wait3A_161 : memref<1x64x128xf32, #tpu.memory_space<hbm>> -> memref<64x128xf32, #tpu.memory_space<hbm>>
    %dma_wait3A_163 = arith.constant 0 : i32
    %dma_wait3A_164 = tpu.memref_slice %arg4[%arg0, %mul3A_139, %dma_wait3A_163] : memref<2x1024x128xf32, #tpu.memory_space<hbm>> -> memref<1x64x128xf32, #tpu.memory_space<hbm>>
    %dma_wait3A_165 = tpu.memref_squeeze %dma_wait3A_164 : memref<1x64x128xf32, #tpu.memory_space<hbm>> -> memref<64x128xf32, #tpu.memory_space<hbm>>
    tpu.wait_dma2 semaphore(%arg14 : memref<!tpu.dma_semaphore, #tpu.memory_space<semaphore_mem>>) src(%arg11 : memref<64x128xf32, #tpu.memory_space<vmem>>) dst(%dma_wait3A_165 : memref<64x128xf32, #tpu.memory_space<hbm>>)
    %dma_wait3A_166 = arith.constant 0 : i32
    %dma_wait3A_167 = arith.constant 0 : i32
    %dma_wait3A_168 = tpu.memref_slice %arg6[%dma_wait3A_166, %dma_wait3A_167] : memref<128x128xf32, #tpu.memory_space<vmem>> -> memref<64x128xf32, #tpu.memory_space<vmem>>
    %dma_wait3A_169 = arith.constant 0 : i32
    %dma_wait3A_170 = tpu.memref_slice %arg5[%arg0, %mul3A_147, %dma_wait3A_169] : memref<2x1024x128xf32, #tpu.memory_space<hbm>> -> memref<1x64x128xf32, #tpu.memory_space<hbm>>
    %dma_wait3A_171 = tpu.memref_squeeze %dma_wait3A_170 : memref<1x64x128xf32, #tpu.memory_space<hbm>> -> memref<64x128xf32, #tpu.memory_space<hbm>>
    %dma_wait3A_172 = arith.constant 0 : i32
    %dma_wait3A_173 = tpu.memref_slice %arg5[%arg0, %mul3A_147, %dma_wait3A_172] : memref<2x1024x128xf32, #tpu.memory_space<hbm>> -> memref<1x64x128xf32, #tpu.memory_space<hbm>>
    %dma_wait3A_174 = tpu.memref_squeeze %dma_wait3A_173 : memref<1x64x128xf32, #tpu.memory_space<hbm>> -> memref<64x128xf32, #tpu.memory_space<hbm>>
    %dma_wait3A_175 = arith.constant 0 : i32
    %dma_wait3A_176 = arith.constant 0 : i32
    %dma_wait3A_177 = tpu.memref_slice %arg6[%dma_wait3A_175, %dma_wait3A_176] : memref<128x128xf32, #tpu.memory_space<vmem>> -> memref<64x128xf32, #tpu.memory_space<vmem>>
    tpu.wait_dma2 semaphore(%arg14 : memref<!tpu.dma_semaphore, #tpu.memory_space<semaphore_mem>>) src(%dma_wait3A_177 : memref<64x128xf32, #tpu.memory_space<vmem>>) dst(%dma_wait3A_174 : memref<64x128xf32, #tpu.memory_space<hbm>>)
    return
  }
}

module attributes {stable_mosaic.version = 14 : i64} {
  func.func @_norm_body(%arg0: i32, %arg1: memref<4096x128xf32, #tpu.memory_space<vmem>>, %arg2: memref<4096x128xf32, #tpu.memory_space<vmem>>) attributes {dimension_semantics = [#tpu.dimension_semantics<arbitrary>], iteration_bounds = array<i64: 4>, scalar_prefetch = 0 : i64, scratch_operands = 0 : i64, tpu.core_type = #tpu.core_type<tc>, window_params = [{transform_indices = @transform_0, window_bounds = array<i64: 4096, 128>}, {transform_indices = @transform_1, window_bounds = array<i64: 4096, 128>}]} {
    %get3A = arith.constant 0 : index
    %get3A_0 = arith.constant 0 : index
    %get3A_1 = vector.load %arg1[%get3A, %get3A_0] : memref<4096x128xf32, #tpu.memory_space<vmem>>, vector<4096x128xf32>
    %mul3A = arith.mulf %get3A_1, %get3A_1 : vector<4096x128xf32>
    %reduce_sum3A = arith.constant dense<0.000000e+00> : vector<4096xf32>
    %reduce_sum3A_2 = vector.multi_reduction <add>, %mul3A, %reduce_sum3A [1] : vector<4096x128xf32> to vector<4096xf32>
    %broadcast_in_dim3A = vector.shape_cast %reduce_sum3A_2 : vector<4096xf32> to vector<4096x1xf32>
    %max3A = arith.constant 1.000000e-24 : f32
    %max3A_3 = vector.broadcast %max3A : f32 to vector<4096x1xf32>
    %max3A_4 = arith.maximumf %broadcast_in_dim3A, %max3A_3 : vector<4096x1xf32>
    %rsqrt3A = math.rsqrt %max3A_4 : vector<4096x1xf32>
    %mul3A_5 = vector.broadcast %rsqrt3A : vector<4096x1xf32> to vector<4096x128xf32>
    %mul3A_6 = arith.mulf %get3A_1, %mul3A_5 : vector<4096x128xf32>
    %swap3A = arith.constant 0 : index
    %swap3A_7 = arith.constant 0 : index
    %swap3A_8 = vector.load %arg2[%swap3A, %swap3A_7] : memref<4096x128xf32, #tpu.memory_space<vmem>>, vector<4096x128xf32>
    tpu.vector_store %arg2[%swap3A, %swap3A_7], %mul3A_6 {strides = array<i32>} : memref<4096x128xf32, #tpu.memory_space<vmem>>, vector<4096x128xf32>,
    return
  }
  func.func @transform_0(%arg0: i32) -> (i32, i32) {
    %c0_i32 = arith.constant 0 : i32
    %c0_i32_0 = arith.constant 0 : i32
    return %arg0, %c0_i32 : i32, i32
  }
  func.func @transform_1(%arg0: i32) -> (i32, i32) {
    %c0_i32 = arith.constant 0 : i32
    %c0_i32_0 = arith.constant 0 : i32
    return %arg0, %c0_i32 : i32, i32
  }
}

module attributes {stable_mosaic.version = 14 : i64} {
  func.func @_stage2_body(%arg0: i32, %arg1: memref<4096x128xf32, #tpu.memory_space<vmem>>, %arg2: memref<2x1024x128xf32, #tpu.memory_space<vmem>>, %arg3: memref<2x1024x128xf32, #tpu.memory_space<vmem>>, %arg4: memref<1x1x4096xi32, #tpu.memory_space<vmem>>, %arg5: memref<1x1xf32, #tpu.memory_space<vmem>>, %arg6: memref<1024x136xf32, #tpu.memory_space<vmem>>) attributes {dimension_semantics = [#tpu.dimension_semantics<arbitrary>], iteration_bounds = array<i64: 4>, scalar_prefetch = 0 : i64, scratch_operands = 1 : i64, tpu.core_type = #tpu.core_type<tc>, window_params = [{transform_indices = @transform_0, window_bounds = array<i64: 4096, 128>}, {pipeline_mode = #tpu.pipeline_mode<synchronous>, transform_indices = @transform_1, window_bounds = array<i64: 2, 1024, 128>}, {pipeline_mode = #tpu.pipeline_mode<synchronous>, transform_indices = @transform_2, window_bounds = array<i64: 2, 1024, 128>}, {transform_indices = @transform_3, window_bounds = array<i64: 1, 1, 4096>}, {pipeline_mode = #tpu.pipeline_mode<synchronous>, transform_indices = @transform_4, window_bounds = array<i64: 1, 1>}]} {
    %eq3A = arith.constant 0 : i32
    %eq3A_0 = arith.cmpi eq, %arg0, %eq3A : i32
    %convert_element_type3A = arith.extui %eq3A_0 : i1 to i32
    %cond3A = arith.constant 0 : i32
    %cond3A_1 = arith.cmpi ne, %convert_element_type3A, %cond3A : i32
    scf.if %cond3A_1 {
      %get3A_41 = arith.constant 0 : index
      %get3A_42 = arith.constant 0 : index
      %get3A_43 = arith.constant 0 : index
      %get3A_44 = vector.load %arg2[%get3A_41, %get3A_42, %get3A_43] : memref<2x1024x128xf32, #tpu.memory_space<vmem>>, vector<1x1024x128xf32>
      %get3A_45 = vector.shape_cast %get3A_44 : vector<1x1024x128xf32> to vector<1024x128xf32>
      %get3A_46 = arith.constant 1 : index
      %get3A_47 = arith.constant 0 : index
      %get3A_48 = arith.constant 0 : index
      %get3A_49 = vector.load %arg2[%get3A_46, %get3A_47, %get3A_48] : memref<2x1024x128xf32, #tpu.memory_space<vmem>>, vector<1x1024x128xf32>
      %get3A_50 = vector.shape_cast %get3A_49 : vector<1x1024x128xf32> to vector<1024x128xf32>
      %add3A = arith.addf %get3A_45, %get3A_50 : vector<1024x128xf32>
      %get3A_51 = arith.constant 0 : index
      %get3A_52 = arith.constant 0 : index
      %get3A_53 = arith.constant 0 : index
      %get3A_54 = vector.load %arg3[%get3A_51, %get3A_52, %get3A_53] : memref<2x1024x128xf32, #tpu.memory_space<vmem>>, vector<1x1024x1xf32>
      %get3A_55 = vector.shape_cast %get3A_54 : vector<1x1024x1xf32> to vector<1024x1xf32>
      %get3A_56 = arith.constant 1 : index
      %get3A_57 = arith.constant 0 : index
      %get3A_58 = arith.constant 0 : index
      %get3A_59 = vector.load %arg3[%get3A_56, %get3A_57, %get3A_58] : memref<2x1024x128xf32, #tpu.memory_space<vmem>>, vector<1x1024x1xf32>
      %get3A_60 = vector.shape_cast %get3A_59 : vector<1x1024x1xf32> to vector<1024x1xf32>
      %add3A_61 = arith.addf %get3A_55, %get3A_60 : vector<1024x1xf32>
      %add3A_62 = arith.constant 9.99999971E-10 : f32
      %add3A_63 = vector.broadcast %add3A_62 : f32 to vector<1024x1xf32>
      %add3A_64 = arith.addf %add3A_61, %add3A_63 : vector<1024x1xf32>
      %mul3A_65 = arith.constant 7.000000e-02 : f32
      %mul3A_66 = vector.broadcast %mul3A_65 : f32 to vector<1024x1xf32>
      %mul3A_67 = arith.mulf %mul3A_66, %add3A_64 : vector<1024x1xf32>
      %div3A = arith.constant 1.000000e+00 : f32
      %div3A_68 = vector.broadcast %div3A : f32 to vector<1024x1xf32>
      %div3A_69 = arith.divf %div3A_68, %mul3A_67 : vector<1024x1xf32>
      %mul3A_70 = vector.broadcast %div3A_69 : vector<1024x1xf32> to vector<1024x128xf32>
      %mul3A_71 = arith.mulf %add3A, %mul3A_70 : vector<1024x128xf32>
      %gt3A_72 = arith.constant 0.000000e+00 : f32
      %gt3A_73 = vector.broadcast %gt3A_72 : f32 to vector<1024x1xf32>
      %gt3A_74 = arith.cmpf ogt, %add3A_61, %gt3A_73 : vector<1024x1xf32>
      %jit3A = arith.constant 0.000000e+00 : f32
      %jit3A_75 = arith.constant -1.000000e+30 : f32
      %broadcast_in_dim3A_76 = vector.broadcast %jit3A : f32 to vector<1024x1xf32>
      %broadcast_in_dim3A_77 = vector.broadcast %jit3A_75 : f32 to vector<1024x1xf32>
      %select_n3A = arith.select %gt3A_74, %broadcast_in_dim3A_76, %broadcast_in_dim3A_77 : vector<1024x1xi1>, vector<1024x1xf32>
      %broadcast_in_dim3A_78 = arith.constant 0.000000e+00 : f32
      %broadcast_in_dim3A_79 = vector.broadcast %broadcast_in_dim3A_78 : f32 to vector<1024x7xf32>
      %concatenate3A_80 = tpu.concatenate %mul3A_71, %select_n3A, %broadcast_in_dim3A_79 in 1 : vector<1024x128xf32>, vector<1024x1xf32>, vector<1024x7xf32> -> vector<1024x136xf32>
      %swap3A = arith.constant 0 : index
      %swap3A_81 = arith.constant 0 : index
      %swap3A_82 = vector.load %arg6[%swap3A, %swap3A_81] : memref<1024x136xf32, #tpu.memory_space<vmem>>, vector<1024x136xf32>
      tpu.vector_store %arg6[%swap3A, %swap3A_81], %concatenate3A_80 {strides = array<i32>} : memref<1024x136xf32, #tpu.memory_space<vmem>>, vector<1024x136xf32>,
    } else {
    }
    %get3A = arith.constant 0 : index
    %get3A_2 = arith.constant 0 : index
    %get3A_3 = vector.load %arg1[%get3A, %get3A_2] : memref<4096x128xf32, #tpu.memory_space<vmem>>, vector<4096x128xf32>
    %broadcast_in_dim3A = arith.constant 1.000000e+00 : f32
    %broadcast_in_dim3A_4 = vector.broadcast %broadcast_in_dim3A : f32 to vector<4096x8xf32>
    %concatenate3A = tpu.concatenate %get3A_3, %broadcast_in_dim3A_4 in 1 : vector<4096x128xf32>, vector<4096x8xf32> -> vector<4096x136xf32>
    %get3A_5 = arith.constant 0 : index
    %get3A_6 = arith.constant 0 : index
    %get3A_7 = vector.load %arg6[%get3A_5, %get3A_6] : memref<1024x136xf32, #tpu.memory_space<vmem>>, vector<1024x136xf32>
    %dot_general3A = arith.constant dense<0.000000e+00> : vector<4096x1024xf32>
    %dot_general3A_8 = tpu.matmul %concatenate3A, %get3A_7, %dot_general3A {dimension_numbers = #tpu.dot_dimension_numbers<[1], [1], [0], [0], [0, 0, 1, 0], [], []>, transpose_lhs_hint = false} : vector<4096x136xf32>, vector<1024x136xf32>, vector<4096x1024xf32> -> vector<4096x1024xf32>
    %exp3A = math.exp %dot_general3A_8 : vector<4096x1024xf32>
    %reduce_sum3A = arith.constant dense<0.000000e+00> : vector<4096xf32>
    %reduce_sum3A_9 = vector.multi_reduction <add>, %exp3A, %reduce_sum3A [1] : vector<4096x1024xf32> to vector<4096xf32>
    %broadcast_in_dim3A_10 = vector.shape_cast %reduce_sum3A_9 : vector<4096xf32> to vector<4096x1xf32>
    %get3A_11 = arith.constant 0 : index
    %get3A_12 = arith.constant 0 : index
    %get3A_13 = arith.constant 0 : index
    %get3A_14 = vector.load %arg4[%get3A_11, %get3A_12, %get3A_13] : memref<1x1x4096xi32, #tpu.memory_space<vmem>>, vector<1x1x4096xi32>
    %get3A_15 = vector.shape_cast %get3A_14 : vector<1x1x4096xi32> to vector<4096xi32>
    %broadcast_in_dim3A_16 = vector.shape_cast %get3A_15 : vector<4096xi32> to vector<4096x1xi32>
    %iota3A = tpu.iota {dimensions = array<i32: 1>} : vector<4096x1024xi32>
    %eq3A_17 = vector.broadcast %broadcast_in_dim3A_16 : vector<4096x1xi32> to vector<4096x1024xi32>
    %eq3A_18 = arith.cmpi eq, %eq3A_17, %iota3A : vector<4096x1024xi32>
    %convert_element_type3A_19 = arith.extui %eq3A_18 : vector<4096x1024xi1> to vector<4096x1024xi32>
    %convert_element_type3A_20 = arith.sitofp %convert_element_type3A_19 : vector<4096x1024xi32> to vector<4096x1024xf32>
    %mul3A = arith.mulf %dot_general3A_8, %convert_element_type3A_20 : vector<4096x1024xf32>
    %reduce_sum3A_21 = arith.constant dense<0.000000e+00> : vector<4096xf32>
    %reduce_sum3A_22 = vector.multi_reduction <add>, %mul3A, %reduce_sum3A_21 [1] : vector<4096x1024xf32> to vector<4096xf32>
    %broadcast_in_dim3A_23 = vector.shape_cast %reduce_sum3A_22 : vector<4096xf32> to vector<4096x1xf32>
    %log3A = math.log %broadcast_in_dim3A_10 : vector<4096x1xf32>
    %sub3A = arith.subf %log3A, %broadcast_in_dim3A_23 : vector<4096x1xf32>
    %reduce_sum3A_24 = arith.constant dense<0.000000e+00> : vector<1xf32>
    %reduce_sum3A_25 = vector.multi_reduction <add>, %sub3A, %reduce_sum3A_24 [0] : vector<4096x1xf32> to vector<1xf32>
    %broadcast_in_dim3A_26 = vector.shape_cast %reduce_sum3A_25 : vector<1xf32> to vector<1x1xf32>
    %eq3A_27 = arith.constant 0 : i32
    %eq3A_28 = arith.cmpi eq, %arg0, %eq3A_27 : i32
    %convert_element_type3A_29 = arith.extui %eq3A_28 : i1 to i32
    %cond3A_30 = arith.constant 0 : i32
    %cond3A_31 = arith.cmpi ne, %convert_element_type3A_29, %cond3A_30 : i32
    scf.if %cond3A_31 {
      %swap3A = arith.constant 0 : index
      %swap3A_41 = arith.constant 0 : index
      %swap3A_42 = vector.load %arg5[%swap3A, %swap3A_41] : memref<1x1xf32, #tpu.memory_space<vmem>>, vector<1x1xf32>
      tpu.vector_store %arg5[%swap3A, %swap3A_41], %broadcast_in_dim3A_26 {strides = array<i32>} : memref<1x1xf32, #tpu.memory_space<vmem>>, vector<1x1xf32>,
    } else {
    }
    %gt3A = arith.constant 0 : i32
    %gt3A_32 = arith.cmpi sgt, %arg0, %gt3A : i32
    %convert_element_type3A_33 = arith.extui %gt3A_32 : i1 to i32
    %cond3A_34 = arith.constant 0 : i32
    %cond3A_35 = arith.cmpi ne, %convert_element_type3A_33, %cond3A_34 : i32
    scf.if %cond3A_35 {
      %get3A_41 = arith.constant 0 : index
      %get3A_42 = arith.constant 0 : index
      %get3A_43 = vector.load %arg5[%get3A_41, %get3A_42] : memref<1x1xf32, #tpu.memory_space<vmem>>, vector<1x1xf32>
      %add3A = arith.addf %get3A_43, %broadcast_in_dim3A_26 : vector<1x1xf32>
      %swap3A = arith.constant 0 : index
      %swap3A_44 = arith.constant 0 : index
      %swap3A_45 = vector.load %arg5[%swap3A, %swap3A_44] : memref<1x1xf32, #tpu.memory_space<vmem>>, vector<1x1xf32>
      tpu.vector_store %arg5[%swap3A, %swap3A_44], %add3A {strides = array<i32>} : memref<1x1xf32, #tpu.memory_space<vmem>>, vector<1x1xf32>,
    } else {
    }
    %eq3A_36 = arith.constant 3 : i32
    %eq3A_37 = arith.cmpi eq, %arg0, %eq3A_36 : i32
    %convert_element_type3A_38 = arith.extui %eq3A_37 : i1 to i32
    %cond3A_39 = arith.constant 0 : i32
    %cond3A_40 = arith.cmpi ne, %convert_element_type3A_38, %cond3A_39 : i32
    scf.if %cond3A_40 {
      %get3A_41 = arith.constant 0 : index
      %get3A_42 = arith.constant 0 : index
      %get3A_43 = vector.load %arg5[%get3A_41, %get3A_42] : memref<1x1xf32, #tpu.memory_space<vmem>>, vector<1x1xf32>
      %div3A = arith.constant 1.638400e+04 : f32
      %div3A_44 = vector.broadcast %div3A : f32 to vector<1x1xf32>
      %div3A_45 = arith.divf %get3A_43, %div3A_44 : vector<1x1xf32>
      %swap3A = arith.constant 0 : index
      %swap3A_46 = arith.constant 0 : index
      %swap3A_47 = vector.load %arg5[%swap3A, %swap3A_46] : memref<1x1xf32, #tpu.memory_space<vmem>>, vector<1x1xf32>
      tpu.vector_store %arg5[%swap3A, %swap3A_46], %div3A_45 {strides = array<i32>} : memref<1x1xf32, #tpu.memory_space<vmem>>, vector<1x1xf32>,
    } else {
    }
    return
  }
  func.func @transform_0(%arg0: i32) -> (i32, i32) {
    %c0_i32 = arith.constant 0 : i32
    %c0_i32_0 = arith.constant 0 : i32
    return %arg0, %c0_i32 : i32, i32
  }
  func.func @transform_1(%arg0: i32) -> (i32, i32, i32) {
    %c0_i32 = arith.constant 0 : i32
    %c0_i32_0 = arith.constant 0 : i32
    %c0_i32_1 = arith.constant 0 : i32
    %c0_i32_2 = arith.constant 0 : i32
    return %c0_i32, %c0_i32_0, %c0_i32_1 : i32, i32, i32
  }
  func.func @transform_2(%arg0: i32) -> (i32, i32, i32) {
    %c0_i32 = arith.constant 0 : i32
    %c0_i32_0 = arith.constant 0 : i32
    %c0_i32_1 = arith.constant 0 : i32
    %c0_i32_2 = arith.constant 0 : i32
    return %c0_i32, %c0_i32_0, %c0_i32_1 : i32, i32, i32
  }
  func.func @transform_3(%arg0: i32) -> (i32, i32, i32) {
    %c0_i32 = arith.constant 0 : i32
    %c0_i32_0 = arith.constant 0 : i32
    %c0_i32_1 = arith.constant 0 : i32
    return %arg0, %c0_i32, %c0_i32_0 : i32, i32, i32
  }
  func.func @transform_4(%arg0: i32) -> (i32, i32) {
    %c0_i32 = arith.constant 0 : i32
    %c0_i32_0 = arith.constant 0 : i32
    %c0_i32_1 = arith.constant 0 : i32
    return %c0_i32, %c0_i32_0 : i32, i32
  }
}

</mosaic_0001>

<sc_bundles>
// kernel: kernel.5.cloned.1.call-start
scs
__scs_entry_jumppad:
0x0: {  	(pc) =	sbr.rel $0x88, $3  }
0x1: {  	(tag) =	ssettag $0x0;
	lr =	simm.s32 $0x1  }
0x2: {  	[smem:$0x3F9F] =	sst lr;
	_ =	strace $0xD0000000  }
0x3: {  	_ = 	snop  }
0x4: {  	_ = 	snop  }
0x5: {  	_ = 	snop  }
0x6: {  	_ = 	snop  }
0x7: {  	_ = 	snop  }
__scs_overlays_trampoline_lowered:
0x8: {  	[smem:$0x3FAE] =	sst s0  }
0x9: {  	[smem:$0x3FAF] =	sst s1  }
0xa: {  	[smem:$0x3FB0] =	sst s2  }
0xb: {  	[smem:$0x3FB1] =	sst s3  }
0xc: {  	[smem:$0x3FB2] =	sst s4  }
0xd: {  	[smem:$0x3FB3] =	sst s5  }
0xe: {  	[smem:$0x3FB4] =	sst s6  }
0xf: {  	[smem:$0x3FB5] =	sst s7  }
0x10: {  	[smem:$0x3FB6] =	sst s8  }
0x11: {  	[smem:$0x3FB7] =	sst s9;
	s0 =	simm.s32 @!p0 $0x0  }
0x12: {  	s1 =	sld [smem:$0x3F9D];
	s0 =	simm.s32 @p0 $0x1  }
0x13: {  	[smem:$0x3FB8] =	sst s0;
	s0 =	simm.s32 @!p1 $0x0  }
0x14: {  	s2 =	sld [smem:$0x3F9C];
	s0 =	simm.s32 @p1 $0x1  }
0x15: {  	[smem:$0x3FB9] =	sst s0;
	s0 =	simm.s32 @!p2 $0x0  }
0x16: {  	s3 =	sld [smem:$0x3FDB];
	s0 =	simm.s32 @p2 $0x1  }
0x17: {  	s4 =	simm.s32 $0x1BF5;
	[smem:$0x3FBB] =	sst s0  }
0x18: {  	s0 =	sld [smem:$0x3F9E];
	_ =	swait.ge [sflag:s4], $0x0  }
0x19: {  	s7 =	sld [smem:$0x3F9F]  }
0x1a: {  	s8 =	sadd.s32 $0xFFFFE003, lr  }
0x1b: {  	s9 =	sadd.s32 $0xFFFFFEF7, lr;
	s5 =	simm.s32 $0xFFFFFFFF;
	p2 =	slt.u32 s8, $0xFFFFF086  }
0x1c: {  	p1 =	slt.u32 s9, $0xF7A;
	s5 =	simm.s32 @!p2 $0x0  }
0x1d: {  	s5 =	simm.s32 @p1 $0x1;
	p0 =	seq.s32 s7, s2  }
0x1e: {  	s7 =	smul.u32 @!p0 $0xF7A, s2;
	p2 =	seq.s32 @!p0 s5, $0x0  }
0x1f: {  	s9 =	smul.u32 $0xF7A, s1;
	s8 =	simm.s32 @!p0 $0x1BF5;
	p2 =	por !p2, p0  }
0x20: {  	[sflag:s8] =	ssyncset.s32 @!p0 $0xFFFFF086;
	s6 =	sadd.s32 @!p0 s3, s7;
	s7 =	simm.s32 @!p0 $0x108  }
0x21: {  	s3 =	sadd.s32 s3, s9;
	s6 =	sadd.s32 @!p0 $0x88, s6;
	s7 =	simm.s32 @p2 $0x1082  }
0x22: {  	[simem:s7], [sflag:s8] =	dma.local @!p0 [hbm:s6], $0xF7A  }
0x23: {  	s9 =	sor.u32 $0xD0000000, s2;
	s6 =	simm.s32 $0x108;
	_ =	swait.ge @!p0 [sflag:s8], $0x0  }
0x24: {  	s3 =	sadd.s32 $0x88, s3;
	s6 =	simm.s32 @!p1 $0x1082;
	[sflag:s4] =	ssyncset.s32 $0xFFFFF086  }
0x25: {  	[simem:s6], [sflag:s4] =	dma.local [hbm:s3], $0xF7A  }
0x26: {  	[smem:$0x3F9F] =	sst s1;
	(tag) =	ssettag s2;
	_ =	strace s9  }
0x27: {  	s1 =	sld [smem:$0x3FAF]  }
0x28: {  	s2 =	sld [smem:$0x3FB0]  }
0x29: {  	s4 =	sld [smem:$0x3FB2]  }
0x2a: {  	p0 =	seq.s32 s5, $0x0;
	s5 =	sld [smem:$0x3FB3]  }
0x2b: {  	s6 =	sld [smem:$0x3FB4]  }
0x2c: {  	s7 =	sld [smem:$0x3FB5]  }
0x2d: {  	s3 =	simm.s32 $0x108;
	s8 =	sld [smem:$0x3FB6]  }
0x2e: {  	s3 =	simm.s32 @!p0 $0x1082;
	s9 =	sld [smem:$0x3FB7]  }
0x2f: {  	lr =	sadd.s32 s0, s3;
	s0 =	sld [smem:$0x3FAE]  }
0x30: {  	s3 =	sld [smem:$0x3FB1]  }
0x31: {  	[smem:$0x3FBA] =	sst s10  }
0x32: {  	s10 =	sld [smem:$0x3FB8];
	_ =	sdelay $0x3  }
0x33: {  	p0 =	seq.s32 s10, $0x1;
	s10 =	sld [smem:$0x3FBA];
	_ =	sdelay $0x3  }
0x34: {  	[smem:$0x3FBA] =	sst s10  }
0x35: {  	s10 =	sld [smem:$0x3FB9];
	_ =	sdelay $0x3  }
0x36: {  	p1 =	seq.s32 s10, $0x1;
	s10 =	sld [smem:$0x3FBA];
	_ =	sdelay $0x3  }
0x37: {  	[smem:$0x3FBA] =	sst s10  }
0x38: {  	s10 =	sld [smem:$0x3FBB]  }
0x39: {  	_ = 	snop;
	(pc) =	sbr.ind lr, $3  }
0x3a: {  	_ = 	snop  }
0x3b: {  	_ = 	snop  }
0x3c: {  	p2 =	seq.s32 s10, $0x1;
	s10 =	sld [smem:$0x3FBA]  }
0x3d: {  	_ =	shalt  }
0x3e: {  	_ =	shalt  }
0x3f: {  	_ =	shalt  }
0x40: {  	_ =	shalt  }
0x41: {  	_ =	shalt  }
0x42: {  	_ =	shalt  }
0x43: {  	_ =	shalt  }
0x44: {  	_ =	shalt  }
0x45: {  	_ =	shalt  }
0x46: {  	_ =	shalt  }
0x47: {  	_ =	shalt  }
0x48: {  	_ =	shalt  }
0x49: {  	_ =	shalt  }
0x4a: {  	_ =	shalt  }
0x4b: {  	_ =	shalt  }
0x4c: {  	_ =	shalt  }
0x4d: {  	_ =	shalt  }
0x4e: {  	_ =	shalt  }
0x4f: {  	_ =	shalt  }
0x50: {  	_ =	shalt  }
0x51: {  	_ =	shalt  }
0x52: {  	_ =	shalt  }
0x53: {  	_ =	shalt  }
0x54: {  	_ =	shalt  }
0x55: {  	_ =	shalt  }
0x56: {  	_ =	shalt  }
0x57: {  	_ =	shalt  }
0x58: {  	_ =	shalt  }
0x59: {  	_ =	shalt  }
0x5a: {  	_ =	shalt  }
0x5b: {  	_ =	shalt  }
0x5c: {  	_ =	shalt  }
0x5d: {  	_ =	shalt  }
0x5e: {  	_ =	shalt  }
0x5f: {  	_ =	shalt  }
0x60: {  	_ =	shalt  }
0x61: {  	_ =	shalt  }
0x62: {  	_ =	shalt  }
0x63: {  	_ =	shalt  }
0x64: {  	_ =	shalt  }
0x65: {  	_ =	shalt  }
0x66: {  	_ =	shalt  }
0x67: {  	_ =	shalt  }
0x68: {  	_ =	shalt  }
0x69: {  	_ =	shalt  }
0x6a: {  	_ =	shalt  }
0x6b: {  	_ =	shalt  }
0x6c: {  	_ =	shalt  }
0x6d: {  	_ =	shalt  }
0x6e: {  	_ =	shalt  }
0x6f: {  	_ =	shalt  }
0x70: {  	_ =	shalt  }
0x71: {  	_ =	shalt  }
0x72: {  	_ =	shalt  }
0x73: {  	_ =	shalt  }
0x74: {  	_ =	shalt  }
0x75: {  	_ =	shalt  }
0x76: {  	_ =	shalt  }
0x77: {  	_ =	shalt  }
0x78: {  	_ =	shalt  }
0x79: {  	_ =	shalt  }
0x7a: {  	_ =	shalt  }
0x7b: {  	_ =	shalt  }
0x7c: {  	_ =	shalt  }
0x7d: {  	_ =	shalt  }
0x7e: {  	_ =	shalt  }
0x7f: {  	_ =	shalt  }
0x80: {  	_ =	shalt  }
0x81: {  	_ =	shalt  }
0x82: {  	_ =	shalt  }
0x83: {  	_ =	shalt  }
0x84: {  	_ =	shalt  }
0x85: {  	_ =	shalt  }
0x86: {  	_ =	shalt  }
0x87: {  	_ =	shalt  }
.Lfunc_end0:
.L_simem_size_0:
called_computation_lowered:
.L_overlay_start_0:
0x88: {  	s2 =	sld [smem:$0x3FD9]  }
0x89: {  	s3 =	sld [smem:$0x3FFE];
	_ =	sdelay $0x1  }
0x8a: {  	s1 =	srdreg.scid  }
0x8b: {  	s0 =	sand.u32 $0x1, s1  }
0x8c: {  	s17 =	sshll.u32 s0, $0xA;
	s2 =	sadd.s32 s3, s2  }
0x8d: {  	s2 =	sadd.s32 s2, s17  }
0x8e: {  	[smem:$0x3FC6] =	sst s2  }
0x8f: {  	_ = 	snop  }
0x90: {  	s2 =	sld [smem:$0x3FC8];
	(tm) =	ssettm $0x1  }
0x91: {  	s18 =	sld [smem:$0x3FFB];
	_ =	sdelay $0x3  }
0x92: {  	_ =	strace s18  }
0x93: {  	s3 =	sld [smem:$0x3FFC];
	_ =	sdelay $0x3  }
0x94: {  	_ =	strace s3  }
0x95: {  	s3 =	sld [smem:$0x3FFD];
	_ =	sdelay $0x3  }
0x96: {  	_ =	strace s3  }
0x97: {  	_ =	strace $0x8FFFFFFF  }
0x98: {  	s19 =	sld [smem:$0x3FDB];
	_ =	sdelay $0x1  }
0x99: {  	s4 =	simm.s32 $_scs_section_size  }
0x9a: {  	s5 =	simm.s32 $_size__tile_overlayer_lowered;
	s6 =	simm.s32 $_tile_overlayer_lowered  }
0x9b: {  	s22 =	simm.s32 $0x1BFF;
	s21 =	sshll.u32 s6, $0x1;
	s3 =	sadd.s32 s4, s19  }
0x9c: {  	s7 =	simm.s32 $0x0;
	s20 =	sshll.u32 s5, $0x1;
	s5 =	sadd.s32 s21, s3  }
0x9d: {  	[timem:s7], [sflag:s22] =	dma.local [hbm:s5], s20  }
0x9e: {  	_ =	swait.ge [sflag:s22], s20  }
0x9f: {  	s4 =	ssub.s32 $0x0, s20;
	[sflag:s22] =	ssyncset.done $0x0  }
0xa0: {  	[sflag:s22] =	ssyncadd.s32 s4;
	_ =	sdelay $0x1  }
0xa1: {  	s23 =	simm.s32 $0x1B8B  }
0xa2: {  	_ =	swait.ge [sflag:s23], $0x1  }
0xa3: {  	[sflag:s23] =	ssyncset.done $0x0  }
0xa4: {  	s25 =	simm.s32 $0x1B8E;
	s24 =	sld [smem:$0x3FFE];
	[sflag:s23] =	ssyncadd.s32 $0xFFFFFFFF  }
0xa5: {  	s26 =	simm.s32 $execute0_lowered;
	[smem:$0x3FD2] =	sst s25  }
0xa6: {  	s5 =	sshll.u32 s26, $0x1;
	_ =	strace $0x80000046;
	[dreg:$0x1] =	wrdreg $0xFFFFFFFF  }
0xa7: {  	s28 =	simm.s32 $_size_execute0_lowered;
	s3 =	sadd.s32 s3, s5;
	[dreg:$0x0] =	wrdreg $0x0  }
0xa8: {  	s5 =	sshll.u32 s28, $0x1;
	[dreg:$0x2] =	wrdreg s3  }
0xa9: {  	[dreg:$0x3] =	wrdreg s5  }
0xaa: {  	[dreg:$0x4] =	wrdreg $0xC0  }
0xab: {  	_ =	task [dreg:s7], $0x5FFFF  }
0xac: {  	[dreg:$0x1] =	wrdreg $0xFFFFFFFF  }
0xad: {  	[dreg:$0x0] =	wrdreg $0x60  }
0xae: {  	[dreg:$0x2] =	wrdreg s24  }
0xaf: {  	[dreg:$0x3] =	wrdreg s2  }
0xb0: {  	[dreg:$0x4] =	wrdreg $0xE1000  }
0xb1: {  	[dreg:$0x5] =	wrdreg $0x101000  }
0xb2: {  	[dreg:$0x6] =	wrdreg $0x9  }
0xb3: {  	_ =	task.clear_ibuf [dreg:s7], $0x7FFFF;
	_ =	strace $0x90000046  }
0xb4: {  	s29 =	simm.s32 $0x9;
	_ =	strace $0x80000048  }
0xb5: {  	_ =	swait.ge [sflag:s29], $0x1  }
0xb6: {  	[sflag:s29] =	ssyncadd.s32 $0xFFFFFFFF  }
0xb7: {  	_ =	strace $0x90000048  }
0xb8: {  	_ =	sfence  }
0xb9: {  	s30 =	sld [smem:$0x0];
	_ =	sdelay $0x2  }
0xba: {  	s31 =	sshll.u32 s1, $0xD;
	s1 =	sshrl.u32 s1, $0x2  }
0xbb: {  	s3 =	sand.u32 $0x4000, s31;
	s1 =	sadd.s32 s1, s30  }
0xbc: {  	s0 =	sor.u32 s3, s0;
	s1 =	sshll.u32 s1, $0x11  }
0xbd: {  	s0 =	sor.u32 s1, s0  }
0xbe: {  	s0 =	sadd.s32 $0x8F2B, s0  }
0xbf: {  	[sflag:s0] =	ssyncadd.remote.s32 $0x1  }
0xc0: {  	_ =	sfence.sel $0xFFFF  }
0xc1: {  	[dreg:$0x0] =	wrdreg $0xFFFFFFFF;
	(pc) =	sbr.abs _section_cstart, $3  }
0xc2: {  	[dreg:$0x1] =	wrdreg $0xFFFFFFFF  }
0xc3: {  	_ =	task.clear_ibuf [dreg:s7], $0x2FFFF;
	_ =	strace $0x9FFFFFFF  }
0xc4: {  	(tm) =	ssettm $0x7FFFFFFF  }
0xc5: {  	_ =	shalt  }
tec
execute0_lowered:
.L_overlay_start_1:
0x0: {  	(tag) =	ssettag $0x1  }
0x1: {  	s5 =	rddreg [dreg:$0x0]  }
0x2: {  	s13 =	rddreg [dreg:$0x1]  }
0x3: {  	s2 =	rddreg [dreg:$0x2]  }
0x4: {  	s3 =	rddreg [dreg:$0x3]  }
0x5: {  	s4 =	srdreg.scid;
	s0 =	rddreg [dreg:$0x4]  }
0x6: {  	s1 =	stileid.u32;
	s19 =	simm.s32 $0x3;
	s20 =	simm.s32 $0x8000  }
0x7: {  	s21 =	simm.s32 $0x1;
	s22 =	simm.s32 $0x8080;
	s23 =	simm.s32 $0x4000  }
0x8: {  	s28 =	simm.s32 $0x0;
	s6 =	sand.u32 $0x1, s4;
	s4 =	simm.s32 $0x0  }
0x9: {  	s7 =	sshll.u32 s1, $0xD;
	s14 =	sadd.s32 $0x1400, s5;
	s9 =	sshll.u32 s1, $0x9  }
0xa: {  	s8 =	sshll.u32 s6, $0x11;
	[smem:$0x7FF] =	sst s4;
	s24 =	ssub.s32 $0x2, s6  }
0xb: {  	s6 =	sshll.u32 s6, $0xD;
	s8 =	sor.u32 s7, s8;
	_ =	strace $0x80000047  }
0xc: {  	s25 =	sshrl.u32 s24, $0x1;
	s12 =	sor.u32 s9, s6;
	s6 =	sadd.s32 s7, s3  }
0xd: {  	s8 =	sshrl.u32 s8, $0x3;
	s17 =	ssub.s32 s24, s25;
	s26 =	sshrl.u32 s12, $0x3  }
0xe: {  	s29 =	sshll.u32 s12, $0x4;
	s9 =	sor.u32 $0x80, s12;
	s15 =	sor.u32 $0x100, s12  }
0xf: {  	s18 =	sor.u32 $0x180, s12;
	s24 =	simm.s32 $0x80;
	s25 =	simm.s32 $0x8100  }
0x10: {  	s16 =	sadd.s32 s8, s5;
	s5 =	sadd.s32 s7, s2;
	s7 =	sadd.s32 s13, s26  }
0x11: {  	s8 =	sadd.s32 s14, s29;
	s10 =	sshrl.u32 s9, $0x3;
	s11 =	sshll.u32 s9, $0x4  }
0x12: {  	s30 =	sshrl.u32 s15, $0x3;
	s15 =	sshll.u32 s15, $0x4;
	s31 =	sshrl.u32 s18, $0x3  }
0x13: {  	s18 =	sshll.u32 s18, $0x4;
	s17 =	smax.u32 s17, $0x1;
	s26 =	simm.s32 $0x2  }
0x14: {  	s9 =	sadd.s32 s13, s10;
	s10 =	sadd.s32 s14, s11;
	s11 =	sadd.s32 s13, s30  }
0x15: {  	s12 =	sadd.s32 s14, s15;
	s13 =	sadd.s32 s13, s31;
	s14 =	sadd.s32 s14, s18  }
0x16: {  	v0 =	vimm.f32 $0.0e+00;
	v1 =	vimm.f32 $1.000000000e+00;
	s15 =	sadd.s32 $0x41400, s16;
	s16 =	sadd.s32 $0x49400, s16;
	s18 =	simm.s32 $0xC100  }
.LBB2_1:
0x17: {  	s29 =	simm.s32 $0x0;
	s30 =	simm.s32 $0x200  }
.LBB2_2:
0x18: {  	p0 =	sne.s32 s30, $0x7E00;
	[tilespmem:s29+$0xC170] =	vst v0  }
0x19: {  	[tilespmem:s29+$0xC100] =	vst v0  }
0x1a: {  	[tilespmem:s29+$0xC110] =	vst v0  }
.Ltmp0:
0x1b: {  	[tilespmem:s29+$0xC120] =	vst v0;
	(pc) =	sbr.rel @p0 .LBB2_2-.Ltmp0, $4  }
0x1c: {  	[tilespmem:s29+$0xC130] =	vst v0  }
0x1d: {  	[tilespmem:s29+$0xC140] =	vst v0  }
0x1e: {  	[tilespmem:s29+$0xC150] =	vst v0  }
0x1f: {  	[tilespmem:s29+$0xC160] =	vst v0;
	s29 =	sshra.s32 s30, $0x2;
	s30 =	sadd.s32 $0x200, s30  }
0x20: {  	[tilespmem:s29+$0xC170] =	vst v0  }
0x21: {  	[tilespmem:s29+$0xC100] =	vst v0  }
0x22: {  	[tilespmem:s29+$0xC110] =	vst v0  }
0x23: {  	[tilespmem:s29+$0xC120] =	vst v0  }
0x24: {  	[tilespmem:s29+$0xC130] =	vst v0  }
0x25: {  	[tilespmem:s29+$0xC140] =	vst v0  }
0x26: {  	[tilespmem:s29+$0xC150] =	vst v0  }
0x27: {  	[tilespmem:s29+$0xC160] =	vst v0;
	s29 =	simm.s32 $0x0;
	s30 =	simm.s32 $0x200  }
.LBB2_4:
0x28: {  	p0 =	sne.s32 s30, $0xFE00;
	[tilespmem:s29+$0x8170] =	vst v1  }
0x29: {  	[tilespmem:s29+$0x8100] =	vst v1  }
0x2a: {  	[tilespmem:s29+$0x8110] =	vst v1  }
.Ltmp1:
0x2b: {  	[tilespmem:s29+$0x8120] =	vst v1;
	(pc) =	sbr.rel @p0 .LBB2_4-.Ltmp1, $4  }
0x2c: {  	[tilespmem:s29+$0x8130] =	vst v1  }
0x2d: {  	[tilespmem:s29+$0x8140] =	vst v1  }
0x2e: {  	[tilespmem:s29+$0x8150] =	vst v1  }
0x2f: {  	[tilespmem:s29+$0x8160] =	vst v1;
	s29 =	sshra.s32 s30, $0x2;
	s30 =	sadd.s32 $0x200, s30  }
0x30: {  	[tilespmem:s29+$0x8170] =	vst v1  }
0x31: {  	[tilespmem:s29+$0x8100] =	vst v1  }
0x32: {  	[tilespmem:s29+$0x8110] =	vst v1  }
0x33: {  	[tilespmem:s29+$0x8120] =	vst v1  }
0x34: {  	[tilespmem:s29+$0x8130] =	vst v1  }
0x35: {  	[tilespmem:s29+$0x8140] =	vst v1  }
0x36: {  	[tilespmem:s29+$0x8150] =	vst v1  }
0x37: {  	[tilespmem:s29+$0x8160] =	vst v1  }
0x38: {  	[spmem:s5] =	stream.linear.scatter [tilespmem:s18], [sflag:$0x3], $0x2000, $0x38;
	[tilespmem:$0x12100] =	vst v63  }
0x39: {  	_ =	swait.ge [sflag:s19], $0x2000  }
0x3a: {  	[sflag:s19] =	ssyncset.done $0x0  }
0x3b: {  	[sflag:s19] =	ssyncadd.s32 $0xFFFFE000  }
0x3c: {  	[spmem:s6] =	stream.linear.scatter [tilespmem:s18], [sflag:$0x3], $0x2000, $0x38;
	[tilespmem:$0x12100] =	vst v63  }
0x3d: {  	_ =	swait.ge [sflag:s19], $0x2000  }
0x3e: {  	[sflag:s19] =	ssyncset.done $0x0  }
0x3f: {  	[sflag:s19] =	ssyncadd.s32 $0xFFFFE000  }
0x40: {  	[bflag:$0x0] =	sbarrier.arrive $0xFFFF  }
0x41: {  	[tilespmem:s20], [sflag:$0x1] =	stream.linear.gather [hbm4b:s7+s4], $0x80, $0x38;
	[tilespmem:$0x12100] =	vst v63  }
0x42: {  	_ = 	snop  }
0x43: {  	[tilespmem:s4], [sflag:$0x1] =	stream.linear.gather [hbm4b:s8+s4], $0x4000, $0x38;
	[tilespmem:$0x12100] =	vst v63  }
0x44: {  	_ =	swait.ge [sflag:s21], $0x80  }
0x45: {  	[sflag:s21] =	ssyncset.done $0x0  }
0x46: {  	[sflag:s21] =	ssyncadd.s32 $0xFFFFFF80  }
0x47: {  	_ =	swait.ge [sflag:s21], $0x4000  }
0x48: {  	[sflag:s21] =	ssyncset.done $0x0  }
0x49: {  	[sflag:s21] =	ssyncadd.s32 $0xFFFFC000  }
0x4a: {  	[tilespmem:s22], [sflag:$0x1] =	stream.linear.gather [hbm4b:s9+s4], $0x80, $0x38;
	[tilespmem:$0x12100] =	vst v63  }
0x4b: {  	_ = 	snop  }
0x4c: {  	[tilespmem:s23], [sflag:$0x1] =	stream.linear.gather [hbm4b:s10+s4], $0x4000, $0x38;
	[tilespmem:$0x12100] =	vst v63  }
0x4d: {  	_ = 	snop  }
0x4e: {  	[spmem:s2] =	stream.indirect.scatter.add.f32 [tilespmem:s4], [sflag:$0x2], $0x80, s20, s24, $0xb8;
	[tilespmem:$0x12100] =	vst v63  }
0x4f: {  	_ = 	snop  }
0x50: {  	[spmem:s3] =	stream.indirect.scatter.add.f32 [tilespmem:s25], [sflag:$0x2], $0x80, s20, s24, $0xb8;
	[tilespmem:$0x12100] =	vst v63  }
0x51: {  	_ =	swait.ge [sflag:s21], $0x80  }
0x52: {  	[sflag:s21] =	ssyncset.done $0x0  }
0x53: {  	[sflag:s21] =	ssyncadd.s32 $0xFFFFFF80  }
0x54: {  	_ =	swait.ge [sflag:s21], $0x4000  }
0x55: {  	[sflag:s21] =	ssyncset.done $0x0  }
0x56: {  	[sflag:s21] =	ssyncadd.s32 $0xFFFFC000  }
0x57: {  	[tilespmem:s20], [sflag:$0x1] =	stream.linear.gather [hbm4b:s11+s4], $0x80, $0x38;
	[tilespmem:$0x12100] =	vst v63  }
0x58: {  	_ = 	snop  }
0x59: {  	[tilespmem:s4], [sflag:$0x1] =	stream.linear.gather [hbm4b:s12+s4], $0x4000, $0x38;
	[tilespmem:$0x12100] =	vst v63  }
0x5a: {  	_ = 	snop  }
0x5b: {  	[spmem:s2] =	stream.indirect.scatter.add.f32 [tilespmem:s23], [sflag:$0x2], $0x80, s22, s24, $0xb8;
	[tilespmem:$0x12100] =	vst v63  }
0x5c: {  	_ = 	snop  }
0x5d: {  	[spmem:s3] =	stream.indirect.scatter.add.f32 [tilespmem:s25], [sflag:$0x2], $0x80, s22, s24, $0xb8;
	[tilespmem:$0x12100] =	vst v63  }
0x5e: {  	_ =	swait.ge [sflag:s21], $0x80  }
0x5f: {  	[sflag:s21] =	ssyncset.done $0x0  }
0x60: {  	[sflag:s21] =	ssyncadd.s32 $0xFFFFFF80  }
0x61: {  	_ =	swait.ge [sflag:s21], $0x4000  }
0x62: {  	[sflag:s21] =	ssyncset.done $0x0  }
0x63: {  	[sflag:s21] =	ssyncadd.s32 $0xFFFFC000  }
0x64: {  	[tilespmem:s22], [sflag:$0x1] =	stream.linear.gather [hbm4b:s13+s4], $0x80, $0x38;
	[tilespmem:$0x12100] =	vst v63  }
0x65: {  	_ = 	snop  }
0x66: {  	[tilespmem:s23], [sflag:$0x1] =	stream.linear.gather [hbm4b:s14+s4], $0x4000, $0x38;
	[tilespmem:$0x12100] =	vst v63  }
0x67: {  	_ = 	snop  }
0x68: {  	[spmem:s2] =	stream.indirect.scatter.add.f32 [tilespmem:s4], [sflag:$0x2], $0x80, s20, s24, $0xb8;
	[tilespmem:$0x12100] =	vst v63  }
0x69: {  	_ = 	snop  }
0x6a: {  	[spmem:s3] =	stream.indirect.scatter.add.f32 [tilespmem:s25], [sflag:$0x2], $0x80, s20, s24, $0xb8;
	[tilespmem:$0x12100] =	vst v63  }
0x6b: {  	_ =	swait.ge [sflag:s21], $0x80  }
0x6c: {  	[sflag:s21] =	ssyncset.done $0x0  }
0x6d: {  	[sflag:s21] =	ssyncadd.s32 $0xFFFFFF80  }
0x6e: {  	_ =	swait.ge [sflag:s21], $0x4000  }
0x6f: {  	[sflag:s21] =	ssyncset.done $0x0  }
0x70: {  	[sflag:s21] =	ssyncadd.s32 $0xFFFFC000  }
0x71: {  	[spmem:s2] =	stream.indirect.scatter.add.f32 [tilespmem:s23], [sflag:$0x2], $0x80, s22, s24, $0xb8;
	[tilespmem:$0x12100] =	vst v63  }
0x72: {  	_ = 	snop  }
0x73: {  	[spmem:s3] =	stream.indirect.scatter.add.f32 [tilespmem:s25], [sflag:$0x2], $0x80, s22, s24, $0xb8;
	[tilespmem:$0x12100] =	vst v63  }
0x74: {  	_ =	swait.ge [sflag:s26], $0x4000  }
0x75: {  	[sflag:s26] =	ssyncset.done $0x0  }
0x76: {  	[sflag:s26] =	ssyncadd.s32 $0xFFFFC000  }
0x77: {  	_ =	swait.ge [sflag:s26], $0x4000  }
0x78: {  	[sflag:s26] =	ssyncset.done $0x0  }
0x79: {  	[sflag:s26] =	ssyncadd.s32 $0xFFFFC000  }
0x7a: {  	_ =	swait.ge [sflag:s26], $0x4000  }
0x7b: {  	[sflag:s26] =	ssyncset.done $0x0  }
0x7c: {  	[sflag:s26] =	ssyncadd.s32 $0xFFFFC000  }
0x7d: {  	_ =	swait.ge [sflag:s26], $0x4000  }
0x7e: {  	[sflag:s26] =	ssyncset.done $0x0  }
0x7f: {  	[sflag:s26] =	ssyncadd.s32 $0xFFFFC000  }
0x80: {  	_ =	swait.ge [sflag:s26], $0x4000  }
0x81: {  	[sflag:s26] =	ssyncset.done $0x0  }
0x82: {  	[sflag:s26] =	ssyncadd.s32 $0xFFFFC000  }
0x83: {  	_ =	swait.ge [sflag:s26], $0x4000  }
0x84: {  	[sflag:s26] =	ssyncset.done $0x0  }
0x85: {  	[sflag:s26] =	ssyncadd.s32 $0xFFFFC000  }
0x86: {  	_ =	swait.ge [sflag:s26], $0x4000  }
0x87: {  	[sflag:s26] =	ssyncset.done $0x0  }
0x88: {  	[sflag:s26] =	ssyncadd.s32 $0xFFFFC000  }
0x89: {  	_ =	swait.ge [sflag:s26], $0x4000  }
0x8a: {  	[sflag:s26] =	ssyncset.done $0x0  }
0x8b: {  	[sflag:s26] =	ssyncadd.s32 $0xFFFFC000  }
0x8c: {  	[bflag:$0x0] =	sbarrier.arrive $0xFFFF  }
0x8d: {  	[tilespmem:s18], [sflag:$0x3] =	stream.linear.gather [spmem:s5], $0x2000, $0x38;
	[tilespmem:$0x12100] =	vst v63  }
0x8e: {  	_ =	swait.ge [sflag:s19], $0x2000  }
0x8f: {  	[sflag:s19] =	ssyncset.done $0x0  }
0x90: {  	[sflag:s19] =	ssyncadd.s32 $0xFFFFE000  }
0x91: {  	[tilespmem:s4], [sflag:$0x3] =	stream.linear.gather [spmem:s6], $0x2000, $0x38;
	[tilespmem:$0x12100] =	vst v63  }
0x92: {  	_ =	swait.ge [sflag:s19], $0x2000  }
0x93: {  	[sflag:s19] =	ssyncset.done $0x0  }
0x94: {  	[sflag:s19] =	ssyncadd.s32 $0xFFFFE000  }
0x95: {  	[hbm4b:s15+s4] =	stream.linear.scatter [tilespmem:s18], [sflag:$0x1], $0x2000, $0x38;
	[tilespmem:$0x12100] =	vst v63  }
0x96: {  	s28 =	sadd.s32 $0x1, s28  }
0x97: {  	[hbm4b:s16+s4] =	stream.linear.scatter [tilespmem:s4], [sflag:$0x1], $0x2000, $0x38;
	[tilespmem:$0x12100] =	vst v63  }
0x98: {  	p0 =	sne.s32 s28, s17;
	_ =	swait.ge [sflag:s21], $0x2000  }
.Ltmp2:
0x99: {  	[sflag:s21] =	ssyncset.done $0x0;
	(pc) =	sbr.rel @p0 .LBB2_1-.Ltmp2, $4  }
0x9a: {  	[sflag:s21] =	ssyncadd.s32 $0xFFFFE000  }
0x9b: {  	_ =	swait.ge [sflag:s21], $0x2000  }
0x9c: {  	[sflag:s21] =	ssyncset.done $0x0  }
0x9d: {  	[sflag:s21] =	ssyncadd.s32 $0xFFFFE000  }
0x9e: {  	_ =	sfence.sel $0x180000  }
0x9f: {  	[bflag:$0x0] =	sbarrier.arrive $0xFFFF  }
0xa0: {  	p0 =	sne.s32 s1, $0x0;
	_ =	strace $0x90000047  }
0xa1: {  	s0 =	sadd.s32 @!p0 $0x100000, s0;
	[bflag:$0x2] =	sbarrier.arrive $0xFFFF  }
0xa2: {  	[sflag:s0] =	ssyncadd.tile.s32 @!p0 $0x1;
	_ =	shalt  }
.Lfunc_end2:
_tile_overlayer_lowered:
.L_overlay_start_2:
0xa3: {  	(tag) =	ssettag $0x2  }
0xa4: {  	s0 =	rddreg [dreg:$0x0];
	s2 =	stileid.u32  }
0xa5: {  	s1 =	rddreg [dreg:$0x1];
	p0 =	sne.s32 s2, $0x0  }
0xa6: {  	s3 =	rddreg [dreg:$0x2];
	[bflag:$0x3] =	sbarrier.arrive $0xFFFF;
	s2 =	simm.s32 @!p0 $0x1C03  }
0xa7: {  	[timem:s3], [sflag:s2] =	dma.local @!p0 [hbm:s0], s1  }
0xa8: {  	s0 =	simm.s32 @!p0 $0x3  }
0xa9: {  	_ =	swait.ge @!p0 [sflag:s0], s1  }
0xaa: {  	s1 =	ssub.s32 @!p0 $0x0, s1;
	[sflag:s0] =	ssyncset.done @!p0 $0x0  }
0xab: {  	[sflag:s0] =	ssyncadd.s32 @!p0 s1  }
0xac: {  	[bflag:$0x3] =	sbarrier.arrive $0xFFFF  }
0xad: {  	_ =	shalt  }

</sc_bundles>
